<compile_context>
chip_gen: v7x
topology: tpu7x:2x2x1
jax: 0.10.2.dev20260603
libtpu: 0.0.44.dev20260713+nightly
codegen_flags: <defaults>
</compile_context>

<pallas_src>
import functools

import jax
import jax.numpy as jnp
from jax import lax
from jax.experimental import pallas as pl
from jax.experimental.pallas import tpu as pltpu
from jax.experimental.pallas import tpu_sc as plsc

_B, _S, _D, _H, _E, _K = 32, 4, 768, 256, 8, 2
_T = _B * _S
_EPS_NORM = 1e-6
_L = 16
_NCHUNK = _T // _L


def _router_logits_kernel(x_ref, nw_ref, gw_ref, lt_ref):
    x = x_ref[...]
    xn = x * lax.rsqrt(jnp.mean(x * x, axis=-1, keepdims=True) + _EPS_NORM)
    xn = xn * nw_ref[...]
    lt_ref[...] = lax.dot_general(
        gw_ref[...], xn, (((1,), (1,)), ((), ())),
        preferred_element_type=jnp.float32)


_NC = 2


def _sc_router_topk_kernel(lt_hbm, ct_hbm, lt_v, ct_v):
    wid = lax.axis_index("s") * _NC + lax.axis_index("c")

    @pl.when(wid < _NCHUNK)
    def _chunk():
        pltpu.sync_copy(lt_hbm, lt_v)
        base = wid * _L
        one = jnp.full((_L,), 1.0, jnp.float32)
        zero = jnp.zeros((_L,), jnp.float32)
        l = [lt_v[e, pl.ds(base, _L)] for e in range(_E)]
        m1 = l[0]
        for e in range(1, _E):
            m1 = jnp.maximum(m1, l[e])
        sel1, found = [], zero
        for e in range(_E):
            ge = jnp.where(l[e] >= m1, one, zero)
            s = ge * (one - found)
            sel1.append(s)
            found = found + s
        lm = [l[e] - sel1[e] * 1.0e30 for e in range(_E)]
        m2 = lm[0]
        for e in range(1, _E):
            m2 = jnp.maximum(m2, lm[e])
        sel2, found2 = [], zero
        for e in range(_E):
            ge = jnp.where(lm[e] >= m2, one, zero)
            s = ge * (one - found2)
            sel2.append(s)
            found2 = found2 + s
        z = zero
        for e in range(_E):
            z = z + jnp.exp(l[e] - m1)
        e2 = jnp.exp(m2 - m1)
        denom = 1.0 + e2 + 1e-10 * z
        c1 = 1.0 / denom
        c2 = e2 / denom
        for e in range(_E):
            ct_v[e, :] = sel1[e] * c1 + sel2[e] * c2
        pltpu.sync_copy(ct_v, ct_hbm.at[wid])


def _moe_ffn_kernel(x_ref, nw_ref, c_ref, w1_hbm, w2_hbm, w3_hbm, out_ref,
                    w1_buf, w2_buf, w3_buf, sems):
    def _copies(e):
        return (
            pltpu.make_async_copy(w1_hbm.at[e], w1_buf.at[e], sems.at[e, 0]),
            pltpu.make_async_copy(w2_hbm.at[e], w2_buf.at[e], sems.at[e, 1]),
            pltpu.make_async_copy(w3_hbm.at[e], w3_buf.at[e], sems.at[e, 2]),
        )

    for e in range(2):
        for cp in _copies(e):
            cp.start()

    x = x_ref[...]
    xn = x * lax.rsqrt(jnp.mean(x * x, axis=-1, keepdims=True) + _EPS_NORM)
    xn = xn * nw_ref[...]
    c = c_ref[...]
    lane = lax.broadcasted_iota(jnp.int32, c.shape, 1)

    acc = jnp.zeros(out_ref.shape, jnp.float32)
    for e in range(_E):
        if e + 2 < _E:
            for cp in _copies(e + 2):
                cp.start()
        for cp in _copies(e):
            cp.wait()
        xnb = xn.astype(jnp.bfloat16)
        h1 = jnp.dot(xnb, w1_buf[e].astype(jnp.bfloat16),
                     preferred_element_type=jnp.float32)
        h2 = jnp.dot(xnb, w2_buf[e].astype(jnp.bfloat16),
                     preferred_element_type=jnp.float32)
        hid = (h1 * lax.logistic(h1)) * h2
        oe = jnp.dot(hid.astype(jnp.bfloat16), w3_buf[e].astype(jnp.bfloat16),
                     preferred_element_type=jnp.float32)
        ce = jnp.sum(jnp.where(lane == e, c, 0.0), axis=-1, keepdims=True)
        acc = acc + ce * oe
    out_ref[...] = acc


def kernel(x, norm_weight, gate_w, w1, w2, w3):
    b, s, d = x.shape
    t = b * s
    x_flat = x.reshape(t, d)
    nw = norm_weight.reshape(1, d)

    lt = pl.pallas_call(
        _router_logits_kernel,
        out_shape=jax.ShapeDtypeStruct((_E, t), jnp.float32),
    )(x_flat, nw, gate_w)

    mesh = plsc.VectorSubcoreMesh(core_axis_name="c", subcore_axis_name="s")
    ct3 = functools.partial(
        pl.kernel, mesh=mesh,
        out_type=jax.ShapeDtypeStruct((_NCHUNK, _E, _L), jnp.float32),
        scratch_types=[
            pltpu.VMEM((_E, _T), jnp.float32),
            pltpu.VMEM((_E, _L), jnp.float32),
        ],
    )(_sc_router_topk_kernel)(lt)
    c_te = jnp.transpose(ct3, (0, 2, 1)).reshape(t, _E)

    out = pl.pallas_call(
        _moe_ffn_kernel,
        in_specs=[
            pl.BlockSpec((t, d), lambda: (0, 0)),
            pl.BlockSpec((1, d), lambda: (0, 0)),
            pl.BlockSpec((t, _E), lambda: (0, 0)),
            pl.BlockSpec(memory_space=pl.ANY),
            pl.BlockSpec(memory_space=pl.ANY),
            pl.BlockSpec(memory_space=pl.ANY),
        ],
        out_specs=pl.BlockSpec((t, d), lambda: (0, 0)),
        out_shape=jax.ShapeDtypeStruct((t, d), jnp.float32),
        scratch_shapes=[
            pltpu.VMEM((_E, _D, _H), jnp.float32),
            pltpu.VMEM((_E, _D, _H), jnp.float32),
            pltpu.VMEM((_E, _H, _D), jnp.float32),
            pltpu.SemaphoreType.DMA((_E, 3)),
        ],
    )(x_flat, nw, c_te, w1, w2, w3)
    return out.reshape(b, s, d)

# --- scband reference (transcript-rebuilt; emitter-appended) ---
"""Pipeline reference for scband-mo-efeed-forward-20744692039744 (READ-ONLY COPY).

The authoritative reference and input builder live on the scoring server;
editing this copy changes nothing except your own understanding.
"""

import jax, jax.numpy as jnp
import numpy as np

B, S, D, H, E, K = 32, 4, 768, 256, 8, 2
EPS_NORM = 1e-6

def setup_inputs(seed: int = 0) -> dict:
    key = jax.random.key(seed)
    ks = jax.random.split(key, 6)
    x = jax.random.normal(ks[0], (B, S, D), dtype=jnp.float32)
    norm_weight = jnp.ones((D,), dtype=jnp.float32)
    # torch Linear default init: U(-1/sqrt(fan_in), 1/sqrt(fan_in))
    bg = 1.0 / np.sqrt(D)
    gate_w = jax.random.uniform(ks[1], (E, D), dtype=jnp.float32, minval=-bg, maxval=bg)
    # kaiming_uniform_(a=sqrt(5)) on [E, d, h]: fan_in = d*h, bound = 1/sqrt(fan_in)
    bw = 1.0 / np.sqrt(D * H)
    w1 = jax.random.uniform(ks[2], (E, D, H), dtype=jnp.float32, minval=-bw, maxval=bw)
    w2 = jax.random.uniform(ks[3], (E, D, H), dtype=jnp.float32, minval=-bw, maxval=bw)
    w3 = jax.random.uniform(ks[4], (E, H, D), dtype=jnp.float32, minval=-bw, maxval=bw)
    return {"x": x, "norm_weight": norm_weight, "gate_w": gate_w, "w1": w1, "w2": w2, "w3": w3}

def reference(x, norm_weight, gate_w, w1, w2, w3):
    b, s, d = x.shape
    # RMSNorm
    x_norm = x * jax.lax.rsqrt(jnp.mean(x * x, axis=-1, keepdims=True) + EPS_NORM) * norm_weight
    # router (Linear, no bias)
    router_logits = jnp.einsum('bsd,ed->bse', x_norm, gate_w)
    router_logits_flat = router_logits.reshape(-1, E)
    router_probs = jax.nn.softmax(router_logits_flat, axis=-1)
    topk_probs, topk_indices = jax.lax.top_k(router_probs, K)
    topk_probs = topk_probs / (jnp.sum(topk_probs, axis=-1, keepdims=True) + 1e-10)
    x_flat = x_norm.reshape(-1, d)
    # gather active expert weights per token (faithful to torch impl)
    w1_active = w1[topk_indices]  # [T, K, D, H]
    w2_active = w2[topk_indices]  # [T, K, D, H]
    w3_active = w3[topk_indices]  # [T, K, H, D]
    h1 = jnp.einsum('td,tkdh->tkh', x_flat, w1_active)
    h2 = jnp.einsum('td,tkdh->tkh', x_flat, w2_active)
    hidden = jax.nn.silu(h1) * h2
    expert_outputs = jnp.einsum('tkh,tkhd->tkd', hidden, w3_active)
    results = expert_outputs * topk_probs[..., None]
    output = jnp.sum(results, axis=1)
    return output.reshape(b, s, d)

if __name__ == "__main__":
    import jax
    _d = setup_inputs()
    print(jax.jit(kernel)(*tuple(_d.values())))

</pallas_src>

<mosaic_0001>
#map = affine_map<(d0, d1) -> (0, 0)>
#map1 = affine_map<(d0, d1) -> (0, 0, 0)>
module attributes {stable_mosaic.version = 14 : i64} {
  func.func @_sc_router_topk_kernel(%arg0: i32, %arg1: i32, %arg2: memref<8x128xf32, #tpu.memory_space<hbm>>, %arg3: memref<8x8x16xf32, #tpu.memory_space<hbm>>, %arg4: memref<8x128xf32, #tpu.memory_space<vmem>>, %arg5: memref<8x16xf32, #tpu.memory_space<vmem>>) attributes {dimension_semantics = [#tpu.dimension_semantics<core_parallel>, #tpu.dimension_semantics<subcore_parallel>], iteration_bounds = array<i64: 2, 16>, scalar_prefetch = 0 : i64, scratch_operands = 2 : i64, tpu.core_type = #tpu.core_type<sc_vector_subcore>, window_params = [{transform_indices = #map}, {transform_indices = #map1}]} {
    %mul3A = arith.constant 2 : i32
    %mul3A_0 = arith.muli %arg1, %mul3A : i32
    %add3A = arith.addi %mul3A_0, %arg0 : i32
    %lt3A = arith.constant 8 : i32
    %lt3A_1 = arith.cmpi slt, %add3A, %lt3A : i32
    %convert_element_type3A = arith.extui %lt3A_1 : i1 to i32
    %cond3A = arith.constant 0 : i32
    %cond3A_2 = arith.cmpi ne, %convert_element_type3A, %cond3A : i32
    scf.if %cond3A_2 {
      "tpu.region"() ({
        %run_scoped3A = tpu.sem_alloc : memref<!tpu.dma_semaphore, #tpu.memory_space<semaphore_mem>>
        tpu.enqueue_dma source(%arg2 : memref<8x128xf32, #tpu.memory_space<hbm>>) target(%arg4 : memref<8x128xf32, #tpu.memory_space<vmem>>) target_semaphore(%run_scoped3A : memref<!tpu.dma_semaphore, #tpu.memory_space<semaphore_mem>>)
        tpu.wait_dma2 semaphore(%run_scoped3A : memref<!tpu.dma_semaphore, #tpu.memory_space<semaphore_mem>>) src(%arg2 : memref<8x128xf32, #tpu.memory_space<hbm>>) dst(%arg4 : memref<8x128xf32, #tpu.memory_space<vmem>>)
        tpu.yield
      }) : () -> ()
      %mul3A_3 = arith.constant 16 : i32
      %mul3A_4 = arith.muli %add3A, %mul3A_3 : i32
      %broadcast_in_dim3A = arith.constant 1.000000e+00 : f32
      %broadcast_in_dim3A_5 = vector.broadcast %broadcast_in_dim3A : f32 to vector<16xf32>
      %broadcast_in_dim3A_6 = arith.constant 0.000000e+00 : f32
      %broadcast_in_dim3A_7 = vector.broadcast %broadcast_in_dim3A_6 : f32 to vector<16xf32>
      %get3A = arith.constant 0 : i32
      %get3A_8 = arith.index_cast %get3A : i32 to index
      %get3A_9 = arith.index_cast %mul3A_4 : i32 to index
      %get3A_10 = tpu.vector_load %arg4[%get3A_8, %get3A_9] {strides = array<i32>} : memref<8x128xf32, #tpu.memory_space<vmem>>, vector<1x16xf32>,
      %get3A_11 = vector.shape_cast %get3A_10 : vector<1x16xf32> to vector<16xf32>
      %get3A_12 = arith.constant 1 : i32
      %get3A_13 = arith.index_cast %get3A_12 : i32 to index
      %get3A_14 = arith.index_cast %mul3A_4 : i32 to index
      %get3A_15 = tpu.vector_load %arg4[%get3A_13, %get3A_14] {strides = array<i32>} : memref<8x128xf32, #tpu.memory_space<vmem>>, vector<1x16xf32>,
      %get3A_16 = vector.shape_cast %get3A_15 : vector<1x16xf32> to vector<16xf32>
      %get3A_17 = arith.constant 2 : i32
      %get3A_18 = arith.index_cast %get3A_17 : i32 to index
      %get3A_19 = arith.index_cast %mul3A_4 : i32 to index
      %get3A_20 = tpu.vector_load %arg4[%get3A_18, %get3A_19] {strides = array<i32>} : memref<8x128xf32, #tpu.memory_space<vmem>>, vector<1x16xf32>,
      %get3A_21 = vector.shape_cast %get3A_20 : vector<1x16xf32> to vector<16xf32>
      %get3A_22 = arith.constant 3 : i32
      %get3A_23 = arith.index_cast %get3A_22 : i32 to index
      %get3A_24 = arith.index_cast %mul3A_4 : i32 to index
      %get3A_25 = tpu.vector_load %arg4[%get3A_23, %get3A_24] {strides = array<i32>} : memref<8x128xf32, #tpu.memory_space<vmem>>, vector<1x16xf32>,
      %get3A_26 = vector.shape_cast %get3A_25 : vector<1x16xf32> to vector<16xf32>
      %get3A_27 = arith.constant 4 : i32
      %get3A_28 = arith.index_cast %get3A_27 : i32 to index
      %get3A_29 = arith.index_cast %mul3A_4 : i32 to index
      %get3A_30 = tpu.vector_load %arg4[%get3A_28, %get3A_29] {strides = array<i32>} : memref<8x128xf32, #tpu.memory_space<vmem>>, vector<1x16xf32>,
      %get3A_31 = vector.shape_cast %get3A_30 : vector<1x16xf32> to vector<16xf32>
      %get3A_32 = arith.constant 5 : i32
      %get3A_33 = arith.index_cast %get3A_32 : i32 to index
      %get3A_34 = arith.index_cast %mul3A_4 : i32 to index
      %get3A_35 = tpu.vector_load %arg4[%get3A_33, %get3A_34] {strides = array<i32>} : memref<8x128xf32, #tpu.memory_space<vmem>>, vector<1x16xf32>,
      %get3A_36 = vector.shape_cast %get3A_35 : vector<1x16xf32> to vector<16xf32>
      %get3A_37 = arith.constant 6 : i32
      %get3A_38 = arith.index_cast %get3A_37 : i32 to index
      %get3A_39 = arith.index_cast %mul3A_4 : i32 to index
      %get3A_40 = tpu.vector_load %arg4[%get3A_38, %get3A_39] {strides = array<i32>} : memref<8x128xf32, #tpu.memory_space<vmem>>, vector<1x16xf32>,
      %get3A_41 = vector.shape_cast %get3A_40 : vector<1x16xf32> to vector<16xf32>
      %get3A_42 = arith.constant 7 : i32
      %get3A_43 = arith.index_cast %get3A_42 : i32 to index
      %get3A_44 = arith.index_cast %mul3A_4 : i32 to index
      %get3A_45 = tpu.vector_load %arg4[%get3A_43, %get3A_44] {strides = array<i32>} : memref<8x128xf32, #tpu.memory_space<vmem>>, vector<1x16xf32>,
      %get3A_46 = vector.shape_cast %get3A_45 : vector<1x16xf32> to vector<16xf32>
      %max3A = arith.maximumf %get3A_11, %get3A_16 : vector<16xf32>
      %max3A_47 = arith.maximumf %max3A, %get3A_21 : vector<16xf32>
      %max3A_48 = arith.maximumf %max3A_47, %get3A_26 : vector<16xf32>
      %max3A_49 = arith.maximumf %max3A_48, %get3A_31 : vector<16xf32>
      %max3A_50 = arith.maximumf %max3A_49, %get3A_36 : vector<16xf32>
      %max3A_51 = arith.maximumf %max3A_50, %get3A_41 : vector<16xf32>
      %max3A_52 = arith.maximumf %max3A_51, %get3A_46 : vector<16xf32>
      %ge3A = arith.cmpf oge, %get3A_11, %max3A_52 : vector<16xf32>
      %select_n3A = arith.select %ge3A, %broadcast_in_dim3A_5, %broadcast_in_dim3A_7 : vector<16xi1>, vector<16xf32>
      %sub3A = arith.subf %broadcast_in_dim3A_5, %broadcast_in_dim3A_7 : vector<16xf32>
      %mul3A_53 = arith.mulf %select_n3A, %sub3A : vector<16xf32>
      %add3A_54 = arith.addf %broadcast_in_dim3A_7, %mul3A_53 : vector<16xf32>
      %ge3A_55 = arith.cmpf oge, %get3A_16, %max3A_52 : vector<16xf32>
      %select_n3A_56 = arith.select %ge3A_55, %broadcast_in_dim3A_5, %broadcast_in_dim3A_7 : vector<16xi1>, vector<16xf32>
      %sub3A_57 = arith.subf %broadcast_in_dim3A_5, %add3A_54 : vector<16xf32>
      %mul3A_58 = arith.mulf %select_n3A_56, %sub3A_57 : vector<16xf32>
      %add3A_59 = arith.addf %add3A_54, %mul3A_58 : vector<16xf32>
      %ge3A_60 = arith.cmpf oge, %get3A_21, %max3A_52 : vector<16xf32>
      %select_n3A_61 = arith.select %ge3A_60, %broadcast_in_dim3A_5, %broadcast_in_dim3A_7 : vector<16xi1>, vector<16xf32>
      %sub3A_62 = arith.subf %broadcast_in_dim3A_5, %add3A_59 : vector<16xf32>
      %mul3A_63 = arith.mulf %select_n3A_61, %sub3A_62 : vector<16xf32>
      %add3A_64 = arith.addf %add3A_59, %mul3A_63 : vector<16xf32>
      %ge3A_65 = arith.cmpf oge, %get3A_26, %max3A_52 : vector<16xf32>
      %select_n3A_66 = arith.select %ge3A_65, %broadcast_in_dim3A_5, %broadcast_in_dim3A_7 : vector<16xi1>, vector<16xf32>
      %sub3A_67 = arith.subf %broadcast_in_dim3A_5, %add3A_64 : vector<16xf32>
      %mul3A_68 = arith.mulf %select_n3A_66, %sub3A_67 : vector<16xf32>
      %add3A_69 = arith.addf %add3A_64, %mul3A_68 : vector<16xf32>
      %ge3A_70 = arith.cmpf oge, %get3A_31, %max3A_52 : vector<16xf32>
      %select_n3A_71 = arith.select %ge3A_70, %broadcast_in_dim3A_5, %broadcast_in_dim3A_7 : vector<16xi1>, vector<16xf32>
      %sub3A_72 = arith.subf %broadcast_in_dim3A_5, %add3A_69 : vector<16xf32>
      %mul3A_73 = arith.mulf %select_n3A_71, %sub3A_72 : vector<16xf32>
      %add3A_74 = arith.addf %add3A_69, %mul3A_73 : vector<16xf32>
      %ge3A_75 = arith.cmpf oge, %get3A_36, %max3A_52 : vector<16xf32>
      %select_n3A_76 = arith.select %ge3A_75, %broadcast_in_dim3A_5, %broadcast_in_dim3A_7 : vector<16xi1>, vector<16xf32>
      %sub3A_77 = arith.subf %broadcast_in_dim3A_5, %add3A_74 : vector<16xf32>
      %mul3A_78 = arith.mulf %select_n3A_76, %sub3A_77 : vector<16xf32>
      %add3A_79 = arith.addf %add3A_74, %mul3A_78 : vector<16xf32>
      %ge3A_80 = arith.cmpf oge, %get3A_41, %max3A_52 : vector<16xf32>
      %select_n3A_81 = arith.select %ge3A_80, %broadcast_in_dim3A_5, %broadcast_in_dim3A_7 : vector<16xi1>, vector<16xf32>
      %sub3A_82 = arith.subf %broadcast_in_dim3A_5, %add3A_79 : vector<16xf32>
      %mul3A_83 = arith.mulf %select_n3A_81, %sub3A_82 : vector<16xf32>
      %add3A_84 = arith.addf %add3A_79, %mul3A_83 : vector<16xf32>
      %ge3A_85 = arith.cmpf oge, %get3A_46, %max3A_52 : vector<16xf32>
      %select_n3A_86 = arith.select %ge3A_85, %broadcast_in_dim3A_5, %broadcast_in_dim3A_7 : vector<16xi1>, vector<16xf32>
      %sub3A_87 = arith.subf %broadcast_in_dim3A_5, %add3A_84 : vector<16xf32>
      %mul3A_88 = arith.mulf %select_n3A_86, %sub3A_87 : vector<16xf32>
      %add3A_89 = arith.addf %add3A_84, %mul3A_88 : vector<16xf32>
      %mul3A_90 = arith.constant 1.000000e+30 : f32
      %mul3A_91 = vector.broadcast %mul3A_90 : f32 to vector<16xf32>
      %mul3A_92 = arith.mulf %mul3A_53, %mul3A_91 : vector<16xf32>
      %sub3A_93 = arith.subf %get3A_11, %mul3A_92 : vector<16xf32>
      %mul3A_94 = arith.constant 1.000000e+30 : f32
      %mul3A_95 = vector.broadcast %mul3A_94 : f32 to vector<16xf32>
      %mul3A_96 = arith.mulf %mul3A_58, %mul3A_95 : vector<16xf32>
      %sub3A_97 = arith.subf %get3A_16, %mul3A_96 : vector<16xf32>
      %mul3A_98 = arith.constant 1.000000e+30 : f32
      %mul3A_99 = vector.broadcast %mul3A_98 : f32 to vector<16xf32>
      %mul3A_100 = arith.mulf %mul3A_63, %mul3A_99 : vector<16xf32>
      %sub3A_101 = arith.subf %get3A_21, %mul3A_100 : vector<16xf32>
      %mul3A_102 = arith.constant 1.000000e+30 : f32
      %mul3A_103 = vector.broadcast %mul3A_102 : f32 to vector<16xf32>
      %mul3A_104 = arith.mulf %mul3A_68, %mul3A_103 : vector<16xf32>
      %sub3A_105 = arith.subf %get3A_26, %mul3A_104 : vector<16xf32>
      %mul3A_106 = arith.constant 1.000000e+30 : f32
      %mul3A_107 = vector.broadcast %mul3A_106 : f32 to vector<16xf32>
      %mul3A_108 = arith.mulf %mul3A_73, %mul3A_107 : vector<16xf32>
      %sub3A_109 = arith.subf %get3A_31, %mul3A_108 : vector<16xf32>
      %mul3A_110 = arith.constant 1.000000e+30 : f32
      %mul3A_111 = vector.broadcast %mul3A_110 : f32 to vector<16xf32>
      %mul3A_112 = arith.mulf %mul3A_78, %mul3A_111 : vector<16xf32>
      %sub3A_113 = arith.subf %get3A_36, %mul3A_112 : vector<16xf32>
      %mul3A_114 = arith.constant 1.000000e+30 : f32
      %mul3A_115 = vector.broadcast %mul3A_114 : f32 to vector<16xf32>
      %mul3A_116 = arith.mulf %mul3A_83, %mul3A_115 : vector<16xf32>
      %sub3A_117 = arith.subf %get3A_41, %mul3A_116 : vector<16xf32>
      %mul3A_118 = arith.constant 1.000000e+30 : f32
      %mul3A_119 = vector.broadcast %mul3A_118 : f32 to vector<16xf32>
      %mul3A_120 = arith.mulf %mul3A_88, %mul3A_119 : vector<16xf32>
      %sub3A_121 = arith.subf %get3A_46, %mul3A_120 : vector<16xf32>
      %max3A_122 = arith.maximumf %sub3A_93, %sub3A_97 : vector<16xf32>
      %max3A_123 = arith.maximumf %max3A_122, %sub3A_101 : vector<16xf32>
      %max3A_124 = arith.maximumf %max3A_123, %sub3A_105 : vector<16xf32>
      %max3A_125 = arith.maximumf %max3A_124, %sub3A_109 : vector<16xf32>
      %max3A_126 = arith.maximumf %max3A_125, %sub3A_113 : vector<16xf32>
      %max3A_127 = arith.maximumf %max3A_126, %sub3A_117 : vector<16xf32>
      %max3A_128 = arith.maximumf %max3A_127, %sub3A_121 : vector<16xf32>
      %ge3A_129 = arith.cmpf oge, %sub3A_93, %max3A_128 : vector<16xf32>
      %select_n3A_130 = arith.select %ge3A_129, %broadcast_in_dim3A_5, %broadcast_in_dim3A_7 : vector<16xi1>, vector<16xf32>
      %sub3A_131 = arith.subf %broadcast_in_dim3A_5, %broadcast_in_dim3A_7 : vector<16xf32>
      %mul3A_132 = arith.mulf %select_n3A_130, %sub3A_131 : vector<16xf32>
      %add3A_133 = arith.addf %broadcast_in_dim3A_7, %mul3A_132 : vector<16xf32>
      %ge3A_134 = arith.cmpf oge, %sub3A_97, %max3A_128 : vector<16xf32>
      %select_n3A_135 = arith.select %ge3A_134, %broadcast_in_dim3A_5, %broadcast_in_dim3A_7 : vector<16xi1>, vector<16xf32>
      %sub3A_136 = arith.subf %broadcast_in_dim3A_5, %add3A_133 : vector<16xf32>
      %mul3A_137 = arith.mulf %select_n3A_135, %sub3A_136 : vector<16xf32>
      %add3A_138 = arith.addf %add3A_133, %mul3A_137 : vector<16xf32>
      %ge3A_139 = arith.cmpf oge, %sub3A_101, %max3A_128 : vector<16xf32>
      %select_n3A_140 = arith.select %ge3A_139, %broadcast_in_dim3A_5, %broadcast_in_dim3A_7 : vector<16xi1>, vector<16xf32>
      %sub3A_141 = arith.subf %broadcast_in_dim3A_5, %add3A_138 : vector<16xf32>
      %mul3A_142 = arith.mulf %select_n3A_140, %sub3A_141 : vector<16xf32>
      %add3A_143 = arith.addf %add3A_138, %mul3A_142 : vector<16xf32>
      %ge3A_144 = arith.cmpf oge, %sub3A_105, %max3A_128 : vector<16xf32>
      %select_n3A_145 = arith.select %ge3A_144, %broadcast_in_dim3A_5, %broadcast_in_dim3A_7 : vector<16xi1>, vector<16xf32>
      %sub3A_146 = arith.subf %broadcast_in_dim3A_5, %add3A_143 : vector<16xf32>
      %mul3A_147 = arith.mulf %select_n3A_145, %sub3A_146 : vector<16xf32>
      %add3A_148 = arith.addf %add3A_143, %mul3A_147 : vector<16xf32>
      %ge3A_149 = arith.cmpf oge, %sub3A_109, %max3A_128 : vector<16xf32>
      %select_n3A_150 = arith.select %ge3A_149, %broadcast_in_dim3A_5, %broadcast_in_dim3A_7 : vector<16xi1>, vector<16xf32>
      %sub3A_151 = arith.subf %broadcast_in_dim3A_5, %add3A_148 : vector<16xf32>
      %mul3A_152 = arith.mulf %select_n3A_150, %sub3A_151 : vector<16xf32>
      %add3A_153 = arith.addf %add3A_148, %mul3A_152 : vector<16xf32>
      %ge3A_154 = arith.cmpf oge, %sub3A_113, %max3A_128 : vector<16xf32>
      %select_n3A_155 = arith.select %ge3A_154, %broadcast_in_dim3A_5, %broadcast_in_dim3A_7 : vector<16xi1>, vector<16xf32>
      %sub3A_156 = arith.subf %broadcast_in_dim3A_5, %add3A_153 : vector<16xf32>
      %mul3A_157 = arith.mulf %select_n3A_155, %sub3A_156 : vector<16xf32>
      %add3A_158 = arith.addf %add3A_153, %mul3A_157 : vector<16xf32>
      %ge3A_159 = arith.cmpf oge, %sub3A_117, %max3A_128 : vector<16xf32>
      %select_n3A_160 = arith.select %ge3A_159, %broadcast_in_dim3A_5, %broadcast_in_dim3A_7 : vector<16xi1>, vector<16xf32>
      %sub3A_161 = arith.subf %broadcast_in_dim3A_5, %add3A_158 : vector<16xf32>
      %mul3A_162 = arith.mulf %select_n3A_160, %sub3A_161 : vector<16xf32>
      %add3A_163 = arith.addf %add3A_158, %mul3A_162 : vector<16xf32>
      %ge3A_164 = arith.cmpf oge, %sub3A_121, %max3A_128 : vector<16xf32>
      %select_n3A_165 = arith.select %ge3A_164, %broadcast_in_dim3A_5, %broadcast_in_dim3A_7 : vector<16xi1>, vector<16xf32>
      %sub3A_166 = arith.subf %broadcast_in_dim3A_5, %add3A_163 : vector<16xf32>
      %mul3A_167 = arith.mulf %select_n3A_165, %sub3A_166 : vector<16xf32>
      %add3A_168 = arith.addf %add3A_163, %mul3A_167 : vector<16xf32>
      %sub3A_169 = arith.subf %get3A_11, %max3A_52 : vector<16xf32>
      %exp3A = math.exp %sub3A_169 : vector<16xf32>
      %add3A_170 = arith.addf %broadcast_in_dim3A_7, %exp3A : vector<16xf32>
      %sub3A_171 = arith.subf %get3A_16, %max3A_52 : vector<16xf32>
      %exp3A_172 = math.exp %sub3A_171 : vector<16xf32>
      %add3A_173 = arith.addf %add3A_170, %exp3A_172 : vector<16xf32>
      %sub3A_174 = arith.subf %get3A_21, %max3A_52 : vector<16xf32>
      %exp3A_175 = math.exp %sub3A_174 : vector<16xf32>
      %add3A_176 = arith.addf %add3A_173, %exp3A_175 : vector<16xf32>
      %sub3A_177 = arith.subf %get3A_26, %max3A_52 : vector<16xf32>
      %exp3A_178 = math.exp %sub3A_177 : vector<16xf32>
      %add3A_179 = arith.addf %add3A_176, %exp3A_178 : vector<16xf32>
      %sub3A_180 = arith.subf %get3A_31, %max3A_52 : vector<16xf32>
      %exp3A_181 = math.exp %sub3A_180 : vector<16xf32>
      %add3A_182 = arith.addf %add3A_179, %exp3A_181 : vector<16xf32>
      %sub3A_183 = arith.subf %get3A_36, %max3A_52 : vector<16xf32>
      %exp3A_184 = math.exp %sub3A_183 : vector<16xf32>
      %add3A_185 = arith.addf %add3A_182, %exp3A_184 : vector<16xf32>
      %sub3A_186 = arith.subf %get3A_41, %max3A_52 : vector<16xf32>
      %exp3A_187 = math.exp %sub3A_186 : vector<16xf32>
      %add3A_188 = arith.addf %add3A_185, %exp3A_187 : vector<16xf32>
      %sub3A_189 = arith.subf %get3A_46, %max3A_52 : vector<16xf32>
      %exp3A_190 = math.exp %sub3A_189 : vector<16xf32>
      %add3A_191 = arith.addf %add3A_188, %exp3A_190 : vector<16xf32>
      %sub3A_192 = arith.subf %max3A_128, %max3A_52 : vector<16xf32>
      %exp3A_193 = math.exp %sub3A_192 : vector<16xf32>
      %add3A_194 = arith.constant 1.000000e+00 : f32
      %add3A_195 = vector.broadcast %add3A_194 : f32 to vector<16xf32>
      %add3A_196 = arith.addf %add3A_195, %exp3A_193 : vector<16xf32>
      %mul3A_197 = arith.constant 1.000000e-10 : f32
      %mul3A_198 = vector.broadcast %mul3A_197 : f32 to vector<16xf32>
      %mul3A_199 = arith.mulf %mul3A_198, %add3A_191 : vector<16xf32>
      %add3A_200 = arith.addf %add3A_196, %mul3A_199 : vector<16xf32>
      %div3A = arith.constant 1.000000e+00 : f32
      %div3A_201 = vector.broadcast %div3A : f32 to vector<16xf32>
      %div3A_202 = arith.divf %div3A_201, %add3A_200 : vector<16xf32>
      %div3A_203 = arith.divf %exp3A_193, %add3A_200 : vector<16xf32>
      %mul3A_204 = arith.mulf %mul3A_53, %div3A_202 : vector<16xf32>
      %mul3A_205 = arith.mulf %mul3A_132, %div3A_203 : vector<16xf32>
      %add3A_206 = arith.addf %mul3A_204, %mul3A_205 : vector<16xf32>
      %swap3A = arith.constant 0 : i32
      %swap3A_207 = arith.index_cast %swap3A : i32 to index
      %swap3A_208 = arith.constant 0 : index
      %swap3A_209 = tpu.vector_load %arg5[%swap3A_207, %swap3A_208] {strides = array<i32>} : memref<8x16xf32, #tpu.memory_space<vmem>>, vector<1x16xf32>,
      %swap3A_210 = vector.shape_cast %swap3A_209 : vector<1x16xf32> to vector<16xf32>
      %swap3A_211 = vector.shape_cast %add3A_206 : vector<16xf32> to vector<1x16xf32>
      tpu.vector_store %arg5[%swap3A_207, %swap3A_208], %swap3A_211 {strides = array<i32>} : memref<8x16xf32, #tpu.memory_space<vmem>>, vector<1x16xf32>,
      %mul3A_212 = arith.mulf %mul3A_58, %div3A_202 : vector<16xf32>
      %mul3A_213 = arith.mulf %mul3A_137, %div3A_203 : vector<16xf32>
      %add3A_214 = arith.addf %mul3A_212, %mul3A_213 : vector<16xf32>
      %swap3A_215 = arith.constant 1 : i32
      %swap3A_216 = arith.index_cast %swap3A_215 : i32 to index
      %swap3A_217 = arith.constant 0 : index
      %swap3A_218 = tpu.vector_load %arg5[%swap3A_216, %swap3A_217] {strides = array<i32>} : memref<8x16xf32, #tpu.memory_space<vmem>>, vector<1x16xf32>,
      %swap3A_219 = vector.shape_cast %swap3A_218 : vector<1x16xf32> to vector<16xf32>
      %swap3A_220 = vector.shape_cast %add3A_214 : vector<16xf32> to vector<1x16xf32>
      tpu.vector_store %arg5[%swap3A_216, %swap3A_217], %swap3A_220 {strides = array<i32>} : memref<8x16xf32, #tpu.memory_space<vmem>>, vector<1x16xf32>,
      %mul3A_221 = arith.mulf %mul3A_63, %div3A_202 : vector<16xf32>
      %mul3A_222 = arith.mulf %mul3A_142, %div3A_203 : vector<16xf32>
      %add3A_223 = arith.addf %mul3A_221, %mul3A_222 : vector<16xf32>
      %swap3A_224 = arith.constant 2 : i32
      %swap3A_225 = arith.index_cast %swap3A_224 : i32 to index
      %swap3A_226 = arith.constant 0 : index
      %swap3A_227 = tpu.vector_load %arg5[%swap3A_225, %swap3A_226] {strides = array<i32>} : memref<8x16xf32, #tpu.memory_space<vmem>>, vector<1x16xf32>,
      %swap3A_228 = vector.shape_cast %swap3A_227 : vector<1x16xf32> to vector<16xf32>
      %swap3A_229 = vector.shape_cast %add3A_223 : vector<16xf32> to vector<1x16xf32>
      tpu.vector_store %arg5[%swap3A_225, %swap3A_226], %swap3A_229 {strides = array<i32>} : memref<8x16xf32, #tpu.memory_space<vmem>>, vector<1x16xf32>,
      %mul3A_230 = arith.mulf %mul3A_68, %div3A_202 : vector<16xf32>
      %mul3A_231 = arith.mulf %mul3A_147, %div3A_203 : vector<16xf32>
      %add3A_232 = arith.addf %mul3A_230, %mul3A_231 : vector<16xf32>
      %swap3A_233 = arith.constant 3 : i32
      %swap3A_234 = arith.index_cast %swap3A_233 : i32 to index
      %swap3A_235 = arith.constant 0 : index
      %swap3A_236 = tpu.vector_load %arg5[%swap3A_234, %swap3A_235] {strides = array<i32>} : memref<8x16xf32, #tpu.memory_space<vmem>>, vector<1x16xf32>,
      %swap3A_237 = vector.shape_cast %swap3A_236 : vector<1x16xf32> to vector<16xf32>
      %swap3A_238 = vector.shape_cast %add3A_232 : vector<16xf32> to vector<1x16xf32>
      tpu.vector_store %arg5[%swap3A_234, %swap3A_235], %swap3A_238 {strides = array<i32>} : memref<8x16xf32, #tpu.memory_space<vmem>>, vector<1x16xf32>,
      %mul3A_239 = arith.mulf %mul3A_73, %div3A_202 : vector<16xf32>
      %mul3A_240 = arith.mulf %mul3A_152, %div3A_203 : vector<16xf32>
      %add3A_241 = arith.addf %mul3A_239, %mul3A_240 : vector<16xf32>
      %swap3A_242 = arith.constant 4 : i32
      %swap3A_243 = arith.index_cast %swap3A_242 : i32 to index
      %swap3A_244 = arith.constant 0 : index
      %swap3A_245 = tpu.vector_load %arg5[%swap3A_243, %swap3A_244] {strides = array<i32>} : memref<8x16xf32, #tpu.memory_space<vmem>>, vector<1x16xf32>,
      %swap3A_246 = vector.shape_cast %swap3A_245 : vector<1x16xf32> to vector<16xf32>
      %swap3A_247 = vector.shape_cast %add3A_241 : vector<16xf32> to vector<1x16xf32>
      tpu.vector_store %arg5[%swap3A_243, %swap3A_244], %swap3A_247 {strides = array<i32>} : memref<8x16xf32, #tpu.memory_space<vmem>>, vector<1x16xf32>,
      %mul3A_248 = arith.mulf %mul3A_78, %div3A_202 : vector<16xf32>
      %mul3A_249 = arith.mulf %mul3A_157, %div3A_203 : vector<16xf32>
      %add3A_250 = arith.addf %mul3A_248, %mul3A_249 : vector<16xf32>
      %swap3A_251 = arith.constant 5 : i32
      %swap3A_252 = arith.index_cast %swap3A_251 : i32 to index
      %swap3A_253 = arith.constant 0 : index
      %swap3A_254 = tpu.vector_load %arg5[%swap3A_252, %swap3A_253] {strides = array<i32>} : memref<8x16xf32, #tpu.memory_space<vmem>>, vector<1x16xf32>,
      %swap3A_255 = vector.shape_cast %swap3A_254 : vector<1x16xf32> to vector<16xf32>
      %swap3A_256 = vector.shape_cast %add3A_250 : vector<16xf32> to vector<1x16xf32>
      tpu.vector_store %arg5[%swap3A_252, %swap3A_253], %swap3A_256 {strides = array<i32>} : memref<8x16xf32, #tpu.memory_space<vmem>>, vector<1x16xf32>,
      %mul3A_257 = arith.mulf %mul3A_83, %div3A_202 : vector<16xf32>
      %mul3A_258 = arith.mulf %mul3A_162, %div3A_203 : vector<16xf32>
      %add3A_259 = arith.addf %mul3A_257, %mul3A_258 : vector<16xf32>
      %swap3A_260 = arith.constant 6 : i32
      %swap3A_261 = arith.index_cast %swap3A_260 : i32 to index
      %swap3A_262 = arith.constant 0 : index
      %swap3A_263 = tpu.vector_load %arg5[%swap3A_261, %swap3A_262] {strides = array<i32>} : memref<8x16xf32, #tpu.memory_space<vmem>>, vector<1x16xf32>,
      %swap3A_264 = vector.shape_cast %swap3A_263 : vector<1x16xf32> to vector<16xf32>
      %swap3A_265 = vector.shape_cast %add3A_259 : vector<16xf32> to vector<1x16xf32>
      tpu.vector_store %arg5[%swap3A_261, %swap3A_262], %swap3A_265 {strides = array<i32>} : memref<8x16xf32, #tpu.memory_space<vmem>>, vector<1x16xf32>,
      %mul3A_266 = arith.mulf %mul3A_88, %div3A_202 : vector<16xf32>
      %mul3A_267 = arith.mulf %mul3A_167, %div3A_203 : vector<16xf32>
      %add3A_268 = arith.addf %mul3A_266, %mul3A_267 : vector<16xf32>
      %swap3A_269 = arith.constant 7 : i32
      %swap3A_270 = arith.index_cast %swap3A_269 : i32 to index
      %swap3A_271 = arith.constant 0 : index
      %swap3A_272 = tpu.vector_load %arg5[%swap3A_270, %swap3A_271] {strides = array<i32>} : memref<8x16xf32, #tpu.memory_space<vmem>>, vector<1x16xf32>,
      %swap3A_273 = vector.shape_cast %swap3A_272 : vector<1x16xf32> to vector<16xf32>
      %swap3A_274 = vector.shape_cast %add3A_268 : vector<16xf32> to vector<1x16xf32>
      tpu.vector_store %arg5[%swap3A_270, %swap3A_271], %swap3A_274 {strides = array<i32>} : memref<8x16xf32, #tpu.memory_space<vmem>>, vector<1x16xf32>,
      "tpu.region"() ({
        %run_scoped3A = tpu.sem_alloc : memref<!tpu.dma_semaphore, #tpu.memory_space<semaphore_mem>>
        %dma_start3A = arith.constant 0 : i32
        %dma_start3A_275 = arith.constant 0 : i32
        %dma_start3A_276 = tpu.memref_slice %arg3[%add3A, %dma_start3A, %dma_start3A_275] : memref<8x8x16xf32, #tpu.memory_space<hbm>> -> memref<1x8x16xf32, #tpu.memory_space<hbm>>
        %dma_start3A_277 = tpu.memref_squeeze %dma_start3A_276 : memref<1x8x16xf32, #tpu.memory_space<hbm>> -> memref<8x16xf32, #tpu.memory_space<hbm>>
        %dma_start3A_278 = arith.constant 0 : i32
        %dma_start3A_279 = arith.constant 0 : i32
        %dma_start3A_280 = tpu.memref_slice %arg3[%add3A, %dma_start3A_278, %dma_start3A_279] : memref<8x8x16xf32, #tpu.memory_space<hbm>> -> memref<1x8x16xf32, #tpu.memory_space<hbm>>
        %dma_start3A_281 = tpu.memref_squeeze %dma_start3A_280 : memref<1x8x16xf32, #tpu.memory_space<hbm>> -> memref<8x16xf32, #tpu.memory_space<hbm>>
        tpu.enqueue_dma source(%arg5 : memref<8x16xf32, #tpu.memory_space<vmem>>) target(%dma_start3A_281 : memref<8x16xf32, #tpu.memory_space<hbm>>) target_semaphore(%run_scoped3A : memref<!tpu.dma_semaphore, #tpu.memory_space<semaphore_mem>>)
        %dma_wait3A = arith.constant 0 : i32
        %dma_wait3A_282 = arith.constant 0 : i32
        %dma_wait3A_283 = tpu.memref_slice %arg3[%add3A, %dma_wait3A, %dma_wait3A_282] : memref<8x8x16xf32, #tpu.memory_space<hbm>> -> memref<1x8x16xf32, #tpu.memory_space<hbm>>
        %dma_wait3A_284 = tpu.memref_squeeze %dma_wait3A_283 : memref<1x8x16xf32, #tpu.memory_space<hbm>> -> memref<8x16xf32, #tpu.memory_space<hbm>>
        %dma_wait3A_285 = arith.constant 0 : i32
        %dma_wait3A_286 = arith.constant 0 : i32
        %dma_wait3A_287 = tpu.memref_slice %arg3[%add3A, %dma_wait3A_285, %dma_wait3A_286] : memref<8x8x16xf32, #tpu.memory_space<hbm>> -> memref<1x8x16xf32, #tpu.memory_space<hbm>>
        %dma_wait3A_288 = tpu.memref_squeeze %dma_wait3A_287 : memref<1x8x16xf32, #tpu.memory_space<hbm>> -> memref<8x16xf32, #tpu.memory_space<hbm>>
        tpu.wait_dma2 semaphore(%run_scoped3A : memref<!tpu.dma_semaphore, #tpu.memory_space<semaphore_mem>>) src(%arg5 : memref<8x16xf32, #tpu.memory_space<vmem>>) dst(%dma_wait3A_288 : memref<8x16xf32, #tpu.memory_space<hbm>>)
        tpu.yield
      }) : () -> ()
    } else {
    }
    return
  }
}

module attributes {stable_mosaic.version = 14 : i64} {
  func.func @_moe_ffn_kernel(%arg0: memref<128x768xf32, #tpu.memory_space<vmem>>, %arg1: memref<1x768xf32, #tpu.memory_space<vmem>>, %arg2: memref<128x8xf32, #tpu.memory_space<vmem>>, %arg3: memref<8x768x256xf32, #tpu.memory_space<any>>, %arg4: memref<8x768x256xf32, #tpu.memory_space<any>>, %arg5: memref<8x256x768xf32, #tpu.memory_space<any>>, %arg6: memref<128x768xf32, #tpu.memory_space<vmem>>, %arg7: memref<8x768x256xf32, #tpu.memory_space<vmem>>, %arg8: memref<8x768x256xf32, #tpu.memory_space<vmem>>, %arg9: memref<8x256x768xf32, #tpu.memory_space<vmem>>, %arg10: memref<8x3x!tpu.dma_semaphore, #tpu.memory_space<semaphore_mem>>) attributes {dimension_semantics = [], scalar_prefetch = 0 : i64, scratch_operands = 4 : i64, tpu.core_type = #tpu.core_type<tc>} {
    %dma_start3A = arith.constant 0 : i32
    %dma_start3A_0 = arith.constant 0 : i32
    %dma_start3A_1 = arith.constant 0 : i32
    %dma_start3A_2 = arith.constant 0 : i32
    %dma_start3A_3 = tpu.memref_slice %arg10[%dma_start3A_1, %dma_start3A_2] : memref<8x3x!tpu.dma_semaphore, #tpu.memory_space<semaphore_mem>> -> memref<1x1x!tpu.dma_semaphore, #tpu.memory_space<semaphore_mem>>
    %dma_start3A_4 = tpu.memref_squeeze %dma_start3A_3 : memref<1x1x!tpu.dma_semaphore, #tpu.memory_space<semaphore_mem>> -> memref<!tpu.dma_semaphore, #tpu.memory_space<semaphore_mem>>
    %dma_start3A_5 = arith.constant 0 : i32
    %dma_start3A_6 = arith.constant 0 : i32
    %dma_start3A_7 = tpu.memref_slice %arg7[%dma_start3A_0, %dma_start3A_5, %dma_start3A_6] : memref<8x768x256xf32, #tpu.memory_space<vmem>> -> memref<1x768x256xf32, #tpu.memory_space<vmem>>
    %dma_start3A_8 = tpu.memref_squeeze %dma_start3A_7 : memref<1x768x256xf32, #tpu.memory_space<vmem>> -> memref<768x256xf32, #tpu.memory_space<vmem>>
    %dma_start3A_9 = arith.constant 0 : i32
    %dma_start3A_10 = arith.constant 0 : i32
    %dma_start3A_11 = tpu.memref_slice %arg3[%dma_start3A, %dma_start3A_9, %dma_start3A_10] : memref<8x768x256xf32, #tpu.memory_space<any>> -> memref<1x768x256xf32, #tpu.memory_space<any>>
    %dma_start3A_12 = tpu.memref_squeeze %dma_start3A_11 : memref<1x768x256xf32, #tpu.memory_space<any>> -> memref<768x256xf32, #tpu.memory_space<any>>
    tpu.enqueue_dma source(%dma_start3A_12 : memref<768x256xf32, #tpu.memory_space<any>>) target(%dma_start3A_8 : memref<768x256xf32, #tpu.memory_space<vmem>>) target_semaphore(%dma_start3A_4 : memref<!tpu.dma_semaphore, #tpu.memory_space<semaphore_mem>>)
    %dma_start3A_13 = arith.constant 0 : i32
    %dma_start3A_14 = arith.constant 0 : i32
    %dma_start3A_15 = arith.constant 0 : i32
    %dma_start3A_16 = arith.constant 1 : i32
    %dma_start3A_17 = tpu.memref_slice %arg10[%dma_start3A_15, %dma_start3A_16] : memref<8x3x!tpu.dma_semaphore, #tpu.memory_space<semaphore_mem>> -> memref<1x1x!tpu.dma_semaphore, #tpu.memory_space<semaphore_mem>>
    %dma_start3A_18 = tpu.memref_squeeze %dma_start3A_17 : memref<1x1x!tpu.dma_semaphore, #tpu.memory_space<semaphore_mem>> -> memref<!tpu.dma_semaphore, #tpu.memory_space<semaphore_mem>>
    %dma_start3A_19 = arith.constant 0 : i32
    %dma_start3A_20 = arith.constant 0 : i32
    %dma_start3A_21 = tpu.memref_slice %arg8[%dma_start3A_14, %dma_start3A_19, %dma_start3A_20] : memref<8x768x256xf32, #tpu.memory_space<vmem>> -> memref<1x768x256xf32, #tpu.memory_space<vmem>>
    %dma_start3A_22 = tpu.memref_squeeze %dma_start3A_21 : memref<1x768x256xf32, #tpu.memory_space<vmem>> -> memref<768x256xf32, #tpu.memory_space<vmem>>
    %dma_start3A_23 = arith.constant 0 : i32
    %dma_start3A_24 = arith.constant 0 : i32
    %dma_start3A_25 = tpu.memref_slice %arg4[%dma_start3A_13, %dma_start3A_23, %dma_start3A_24] : memref<8x768x256xf32, #tpu.memory_space<any>> -> memref<1x768x256xf32, #tpu.memory_space<any>>
    %dma_start3A_26 = tpu.memref_squeeze %dma_start3A_25 : memref<1x768x256xf32, #tpu.memory_space<any>> -> memref<768x256xf32, #tpu.memory_space<any>>
    tpu.enqueue_dma source(%dma_start3A_26 : memref<768x256xf32, #tpu.memory_space<any>>) target(%dma_start3A_22 : memref<768x256xf32, #tpu.memory_space<vmem>>) target_semaphore(%dma_start3A_18 : memref<!tpu.dma_semaphore, #tpu.memory_space<semaphore_mem>>)
    %dma_start3A_27 = arith.constant 0 : i32
    %dma_start3A_28 = arith.constant 0 : i32
    %dma_start3A_29 = arith.constant 0 : i32
    %dma_start3A_30 = arith.constant 2 : i32
    %dma_start3A_31 = tpu.memref_slice %arg10[%dma_start3A_29, %dma_start3A_30] : memref<8x3x!tpu.dma_semaphore, #tpu.memory_space<semaphore_mem>> -> memref<1x1x!tpu.dma_semaphore, #tpu.memory_space<semaphore_mem>>
    %dma_start3A_32 = tpu.memref_squeeze %dma_start3A_31 : memref<1x1x!tpu.dma_semaphore, #tpu.memory_space<semaphore_mem>> -> memref<!tpu.dma_semaphore, #tpu.memory_space<semaphore_mem>>
    %dma_start3A_33 = arith.constant 0 : i32
    %dma_start3A_34 = arith.constant 0 : i32
    %dma_start3A_35 = tpu.memref_slice %arg9[%dma_start3A_28, %dma_start3A_33, %dma_start3A_34] : memref<8x256x768xf32, #tpu.memory_space<vmem>> -> memref<1x256x768xf32, #tpu.memory_space<vmem>>
    %dma_start3A_36 = tpu.memref_squeeze %dma_start3A_35 : memref<1x256x768xf32, #tpu.memory_space<vmem>> -> memref<256x768xf32, #tpu.memory_space<vmem>>
    %dma_start3A_37 = arith.constant 0 : i32
    %dma_start3A_38 = arith.constant 0 : i32
    %dma_start3A_39 = tpu.memref_slice %arg5[%dma_start3A_27, %dma_start3A_37, %dma_start3A_38] : memref<8x256x768xf32, #tpu.memory_space<any>> -> memref<1x256x768xf32, #tpu.memory_space<any>>
    %dma_start3A_40 = tpu.memref_squeeze %dma_start3A_39 : memref<1x256x768xf32, #tpu.memory_space<any>> -> memref<256x768xf32, #tpu.memory_space<any>>
    tpu.enqueue_dma source(%dma_start3A_40 : memref<256x768xf32, #tpu.memory_space<any>>) target(%dma_start3A_36 : memref<256x768xf32, #tpu.memory_space<vmem>>) target_semaphore(%dma_start3A_32 : memref<!tpu.dma_semaphore, #tpu.memory_space<semaphore_mem>>)
    %dma_start3A_41 = arith.constant 1 : i32
    %dma_start3A_42 = arith.constant 1 : i32
    %dma_start3A_43 = arith.constant 1 : i32
    %dma_start3A_44 = arith.constant 0 : i32
    %dma_start3A_45 = tpu.memref_slice %arg10[%dma_start3A_43, %dma_start3A_44] : memref<8x3x!tpu.dma_semaphore, #tpu.memory_space<semaphore_mem>> -> memref<1x1x!tpu.dma_semaphore, #tpu.memory_space<semaphore_mem>>
    %dma_start3A_46 = tpu.memref_squeeze %dma_start3A_45 : memref<1x1x!tpu.dma_semaphore, #tpu.memory_space<semaphore_mem>> -> memref<!tpu.dma_semaphore, #tpu.memory_space<semaphore_mem>>
    %dma_start3A_47 = arith.constant 0 : i32
    %dma_start3A_48 = arith.constant 0 : i32
    %dma_start3A_49 = tpu.memref_slice %arg7[%dma_start3A_42, %dma_start3A_47, %dma_start3A_48] : memref<8x768x256xf32, #tpu.memory_space<vmem>> -> memref<1x768x256xf32, #tpu.memory_space<vmem>>
    %dma_start3A_50 = tpu.memref_squeeze %dma_start3A_49 : memref<1x768x256xf32, #tpu.memory_space<vmem>> -> memref<768x256xf32, #tpu.memory_space<vmem>>
    %dma_start3A_51 = arith.constant 0 : i32
    %dma_start3A_52 = arith.constant 0 : i32
    %dma_start3A_53 = tpu.memref_slice %arg3[%dma_start3A_41, %dma_start3A_51, %dma_start3A_52] : memref<8x768x256xf32, #tpu.memory_space<any>> -> memref<1x768x256xf32, #tpu.memory_space<any>>
    %dma_start3A_54 = tpu.memref_squeeze %dma_start3A_53 : memref<1x768x256xf32, #tpu.memory_space<any>> -> memref<768x256xf32, #tpu.memory_space<any>>
    tpu.enqueue_dma source(%dma_start3A_54 : memref<768x256xf32, #tpu.memory_space<any>>) target(%dma_start3A_50 : memref<768x256xf32, #tpu.memory_space<vmem>>) target_semaphore(%dma_start3A_46 : memref<!tpu.dma_semaphore, #tpu.memory_space<semaphore_mem>>)
    %dma_start3A_55 = arith.constant 1 : i32
    %dma_start3A_56 = arith.constant 1 : i32
    %dma_start3A_57 = arith.constant 1 : i32
    %dma_start3A_58 = arith.constant 1 : i32
    %dma_start3A_59 = tpu.memref_slice %arg10[%dma_start3A_57, %dma_start3A_58] : memref<8x3x!tpu.dma_semaphore, #tpu.memory_space<semaphore_mem>> -> memref<1x1x!tpu.dma_semaphore, #tpu.memory_space<semaphore_mem>>
    %dma_start3A_60 = tpu.memref_squeeze %dma_start3A_59 : memref<1x1x!tpu.dma_semaphore, #tpu.memory_space<semaphore_mem>> -> memref<!tpu.dma_semaphore, #tpu.memory_space<semaphore_mem>>
    %dma_start3A_61 = arith.constant 0 : i32
    %dma_start3A_62 = arith.constant 0 : i32
    %dma_start3A_63 = tpu.memref_slice %arg8[%dma_start3A_56, %dma_start3A_61, %dma_start3A_62] : memref<8x768x256xf32, #tpu.memory_space<vmem>> -> memref<1x768x256xf32, #tpu.memory_space<vmem>>
    %dma_start3A_64 = tpu.memref_squeeze %dma_start3A_63 : memref<1x768x256xf32, #tpu.memory_space<vmem>> -> memref<768x256xf32, #tpu.memory_space<vmem>>
    %dma_start3A_65 = arith.constant 0 : i32
    %dma_start3A_66 = arith.constant 0 : i32
    %dma_start3A_67 = tpu.memref_slice %arg4[%dma_start3A_55, %dma_start3A_65, %dma_start3A_66] : memref<8x768x256xf32, #tpu.memory_space<any>> -> memref<1x768x256xf32, #tpu.memory_space<any>>
    %dma_start3A_68 = tpu.memref_squeeze %dma_start3A_67 : memref<1x768x256xf32, #tpu.memory_space<any>> -> memref<768x256xf32, #tpu.memory_space<any>>
    tpu.enqueue_dma source(%dma_start3A_68 : memref<768x256xf32, #tpu.memory_space<any>>) target(%dma_start3A_64 : memref<768x256xf32, #tpu.memory_space<vmem>>) target_semaphore(%dma_start3A_60 : memref<!tpu.dma_semaphore, #tpu.memory_space<semaphore_mem>>)
    %dma_start3A_69 = arith.constant 1 : i32
    %dma_start3A_70 = arith.constant 1 : i32
    %dma_start3A_71 = arith.constant 1 : i32
    %dma_start3A_72 = arith.constant 2 : i32
    %dma_start3A_73 = tpu.memref_slice %arg10[%dma_start3A_71, %dma_start3A_72] : memref<8x3x!tpu.dma_semaphore, #tpu.memory_space<semaphore_mem>> -> memref<1x1x!tpu.dma_semaphore, #tpu.memory_space<semaphore_mem>>
    %dma_start3A_74 = tpu.memref_squeeze %dma_start3A_73 : memref<1x1x!tpu.dma_semaphore, #tpu.memory_space<semaphore_mem>> -> memref<!tpu.dma_semaphore, #tpu.memory_space<semaphore_mem>>
    %dma_start3A_75 = arith.constant 0 : i32
    %dma_start3A_76 = arith.constant 0 : i32
    %dma_start3A_77 = tpu.memref_slice %arg9[%dma_start3A_70, %dma_start3A_75, %dma_start3A_76] : memref<8x256x768xf32, #tpu.memory_space<vmem>> -> memref<1x256x768xf32, #tpu.memory_space<vmem>>
    %dma_start3A_78 = tpu.memref_squeeze %dma_start3A_77 : memref<1x256x768xf32, #tpu.memory_space<vmem>> -> memref<256x768xf32, #tpu.memory_space<vmem>>
    %dma_start3A_79 = arith.constant 0 : i32
    %dma_start3A_80 = arith.constant 0 : i32
    %dma_start3A_81 = tpu.memref_slice %arg5[%dma_start3A_69, %dma_start3A_79, %dma_start3A_80] : memref<8x256x768xf32, #tpu.memory_space<any>> -> memref<1x256x768xf32, #tpu.memory_space<any>>
    %dma_start3A_82 = tpu.memref_squeeze %dma_start3A_81 : memref<1x256x768xf32, #tpu.memory_space<any>> -> memref<256x768xf32, #tpu.memory_space<any>>
    tpu.enqueue_dma source(%dma_start3A_82 : memref<256x768xf32, #tpu.memory_space<any>>) target(%dma_start3A_78 : memref<256x768xf32, #tpu.memory_space<vmem>>) target_semaphore(%dma_start3A_74 : memref<!tpu.dma_semaphore, #tpu.memory_space<semaphore_mem>>)
    %get3A = arith.constant 0 : index
    %get3A_83 = arith.constant 0 : index
    %get3A_84 = vector.load %arg0[%get3A, %get3A_83] : memref<128x768xf32, #tpu.memory_space<vmem>>, vector<128x768xf32>
    %mul3A = arith.mulf %get3A_84, %get3A_84 : vector<128x768xf32>
    %reduce_sum3A = arith.constant dense<0.000000e+00> : vector<128xf32>
    %reduce_sum3A_85 = vector.multi_reduction <add>, %mul3A, %reduce_sum3A [1] : vector<128x768xf32> to vector<128xf32>
    %broadcast_in_dim3A = vector.shape_cast %reduce_sum3A_85 : vector<128xf32> to vector<128x1xf32>
    %div3A = arith.constant 7.680000e+02 : f32
    %div3A_86 = vector.broadcast %div3A : f32 to vector<128x1xf32>
    %div3A_87 = arith.divf %broadcast_in_dim3A, %div3A_86 : vector<128x1xf32>
    %add3A = arith.constant 9.99999997E-7 : f32
    %add3A_88 = vector.broadcast %add3A : f32 to vector<128x1xf32>
    %add3A_89 = arith.addf %div3A_87, %add3A_88 : vector<128x1xf32>
    %rsqrt3A = math.rsqrt %add3A_89 : vector<128x1xf32>
    %mul3A_90 = vector.broadcast %rsqrt3A : vector<128x1xf32> to vector<128x768xf32>
    %mul3A_91 = arith.mulf %get3A_84, %mul3A_90 : vector<128x768xf32>
    %get3A_92 = arith.constant 0 : index
    %get3A_93 = arith.constant 0 : index
    %get3A_94 = vector.load %arg1[%get3A_92, %get3A_93] : memref<1x768xf32, #tpu.memory_space<vmem>>, vector<1x768xf32>
    %mul3A_95 = vector.broadcast %get3A_94 : vector<1x768xf32> to vector<128x768xf32>
    %mul3A_96 = arith.mulf %mul3A_91, %mul3A_95 : vector<128x768xf32>
    %get3A_97 = arith.constant 0 : index
    %get3A_98 = arith.constant 0 : index
    %get3A_99 = vector.load %arg2[%get3A_97, %get3A_98] : memref<128x8xf32, #tpu.memory_space<vmem>>, vector<128x8xf32>
    %iota3A = tpu.iota {dimensions = array<i32: 1>} : vector<128x8xi32>
    %broadcast_in_dim3A_100 = arith.constant 0.000000e+00 : f32
    %broadcast_in_dim3A_101 = vector.broadcast %broadcast_in_dim3A_100 : f32 to vector<128x768xf32>
    %dma_start3A_102 = arith.constant 2 : i32
    %dma_start3A_103 = arith.constant 2 : i32
    %dma_start3A_104 = arith.constant 2 : i32
    %dma_start3A_105 = arith.constant 0 : i32
    %dma_start3A_106 = tpu.memref_slice %arg10[%dma_start3A_104, %dma_start3A_105] : memref<8x3x!tpu.dma_semaphore, #tpu.memory_space<semaphore_mem>> -> memref<1x1x!tpu.dma_semaphore, #tpu.memory_space<semaphore_mem>>
    %dma_start3A_107 = tpu.memref_squeeze %dma_start3A_106 : memref<1x1x!tpu.dma_semaphore, #tpu.memory_space<semaphore_mem>> -> memref<!tpu.dma_semaphore, #tpu.memory_space<semaphore_mem>>
    %dma_start3A_108 = arith.constant 0 : i32
    %dma_start3A_109 = arith.constant 0 : i32
    %dma_start3A_110 = tpu.memref_slice %arg7[%dma_start3A_103, %dma_start3A_108, %dma_start3A_109] : memref<8x768x256xf32, #tpu.memory_space<vmem>> -> memref<1x768x256xf32, #tpu.memory_space<vmem>>
    %dma_start3A_111 = tpu.memref_squeeze %dma_start3A_110 : memref<1x768x256xf32, #tpu.memory_space<vmem>> -> memref<768x256xf32, #tpu.memory_space<vmem>>
    %dma_start3A_112 = arith.constant 0 : i32
    %dma_start3A_113 = arith.constant 0 : i32
    %dma_start3A_114 = tpu.memref_slice %arg3[%dma_start3A_102, %dma_start3A_112, %dma_start3A_113] : memref<8x768x256xf32, #tpu.memory_space<any>> -> memref<1x768x256xf32, #tpu.memory_space<any>>
    %dma_start3A_115 = tpu.memref_squeeze %dma_start3A_114 : memref<1x768x256xf32, #tpu.memory_space<any>> -> memref<768x256xf32, #tpu.memory_space<any>>
    tpu.enqueue_dma source(%dma_start3A_115 : memref<768x256xf32, #tpu.memory_space<any>>) target(%dma_start3A_111 : memref<768x256xf32, #tpu.memory_space<vmem>>) target_semaphore(%dma_start3A_107 : memref<!tpu.dma_semaphore, #tpu.memory_space<semaphore_mem>>)
    %dma_start3A_116 = arith.constant 2 : i32
    %dma_start3A_117 = arith.constant 2 : i32
    %dma_start3A_118 = arith.constant 2 : i32
    %dma_start3A_119 = arith.constant 1 : i32
    %dma_start3A_120 = tpu.memref_slice %arg10[%dma_start3A_118, %dma_start3A_119] : memref<8x3x!tpu.dma_semaphore, #tpu.memory_space<semaphore_mem>> -> memref<1x1x!tpu.dma_semaphore, #tpu.memory_space<semaphore_mem>>
    %dma_start3A_121 = tpu.memref_squeeze %dma_start3A_120 : memref<1x1x!tpu.dma_semaphore, #tpu.memory_space<semaphore_mem>> -> memref<!tpu.dma_semaphore, #tpu.memory_space<semaphore_mem>>
    %dma_start3A_122 = arith.constant 0 : i32
    %dma_start3A_123 = arith.constant 0 : i32
    %dma_start3A_124 = tpu.memref_slice %arg8[%dma_start3A_117, %dma_start3A_122, %dma_start3A_123] : memref<8x768x256xf32, #tpu.memory_space<vmem>> -> memref<1x768x256xf32, #tpu.memory_space<vmem>>
    %dma_start3A_125 = tpu.memref_squeeze %dma_start3A_124 : memref<1x768x256xf32, #tpu.memory_space<vmem>> -> memref<768x256xf32, #tpu.memory_space<vmem>>
    %dma_start3A_126 = arith.constant 0 : i32
    %dma_start3A_127 = arith.constant 0 : i32
    %dma_start3A_128 = tpu.memref_slice %arg4[%dma_start3A_116, %dma_start3A_126, %dma_start3A_127] : memref<8x768x256xf32, #tpu.memory_space<any>> -> memref<1x768x256xf32, #tpu.memory_space<any>>
    %dma_start3A_129 = tpu.memref_squeeze %dma_start3A_128 : memref<1x768x256xf32, #tpu.memory_space<any>> -> memref<768x256xf32, #tpu.memory_space<any>>
    tpu.enqueue_dma source(%dma_start3A_129 : memref<768x256xf32, #tpu.memory_space<any>>) target(%dma_start3A_125 : memref<768x256xf32, #tpu.memory_space<vmem>>) target_semaphore(%dma_start3A_121 : memref<!tpu.dma_semaphore, #tpu.memory_space<semaphore_mem>>)
    %dma_start3A_130 = arith.constant 2 : i32
    %dma_start3A_131 = arith.constant 2 : i32
    %dma_start3A_132 = arith.constant 2 : i32
    %dma_start3A_133 = arith.constant 2 : i32
    %dma_start3A_134 = tpu.memref_slice %arg10[%dma_start3A_132, %dma_start3A_133] : memref<8x3x!tpu.dma_semaphore, #tpu.memory_space<semaphore_mem>> -> memref<1x1x!tpu.dma_semaphore, #tpu.memory_space<semaphore_mem>>
    %dma_start3A_135 = tpu.memref_squeeze %dma_start3A_134 : memref<1x1x!tpu.dma_semaphore, #tpu.memory_space<semaphore_mem>> -> memref<!tpu.dma_semaphore, #tpu.memory_space<semaphore_mem>>
    %dma_start3A_136 = arith.constant 0 : i32
    %dma_start3A_137 = arith.constant 0 : i32
    %dma_start3A_138 = tpu.memref_slice %arg9[%dma_start3A_131, %dma_start3A_136, %dma_start3A_137] : memref<8x256x768xf32, #tpu.memory_space<vmem>> -> memref<1x256x768xf32, #tpu.memory_space<vmem>>
    %dma_start3A_139 = tpu.memref_squeeze %dma_start3A_138 : memref<1x256x768xf32, #tpu.memory_space<vmem>> -> memref<256x768xf32, #tpu.memory_space<vmem>>
    %dma_start3A_140 = arith.constant 0 : i32
    %dma_start3A_141 = arith.constant 0 : i32
    %dma_start3A_142 = tpu.memref_slice %arg5[%dma_start3A_130, %dma_start3A_140, %dma_start3A_141] : memref<8x256x768xf32, #tpu.memory_space<any>> -> memref<1x256x768xf32, #tpu.memory_space<any>>
    %dma_start3A_143 = tpu.memref_squeeze %dma_start3A_142 : memref<1x256x768xf32, #tpu.memory_space<any>> -> memref<256x768xf32, #tpu.memory_space<any>>
    tpu.enqueue_dma source(%dma_start3A_143 : memref<256x768xf32, #tpu.memory_space<any>>) target(%dma_start3A_139 : memref<256x768xf32, #tpu.memory_space<vmem>>) target_semaphore(%dma_start3A_135 : memref<!tpu.dma_semaphore, #tpu.memory_space<semaphore_mem>>)
    %dma_wait3A = arith.constant 0 : i32
    %dma_wait3A_144 = arith.constant 0 : i32
    %dma_wait3A_145 = arith.constant 0 : i32
    %dma_wait3A_146 = arith.constant 0 : i32
    %dma_wait3A_147 = tpu.memref_slice %arg10[%dma_wait3A_145, %dma_wait3A_146] : memref<8x3x!tpu.dma_semaphore, #tpu.memory_space<semaphore_mem>> -> memref<1x1x!tpu.dma_semaphore, #tpu.memory_space<semaphore_mem>>
    %dma_wait3A_148 = tpu.memref_squeeze %dma_wait3A_147 : memref<1x1x!tpu.dma_semaphore, #tpu.memory_space<semaphore_mem>> -> memref<!tpu.dma_semaphore, #tpu.memory_space<semaphore_mem>>
    %dma_wait3A_149 = arith.constant 0 : i32
    %dma_wait3A_150 = arith.constant 0 : i32
    %dma_wait3A_151 = tpu.memref_slice %arg7[%dma_wait3A_144, %dma_wait3A_149, %dma_wait3A_150] : memref<8x768x256xf32, #tpu.memory_space<vmem>> -> memref<1x768x256xf32, #tpu.memory_space<vmem>>
    %dma_wait3A_152 = tpu.memref_squeeze %dma_wait3A_151 : memref<1x768x256xf32, #tpu.memory_space<vmem>> -> memref<768x256xf32, #tpu.memory_space<vmem>>
    %dma_wait3A_153 = arith.constant 0 : i32
    %dma_wait3A_154 = arith.constant 0 : i32
    %dma_wait3A_155 = tpu.memref_slice %arg3[%dma_wait3A, %dma_wait3A_153, %dma_wait3A_154] : memref<8x768x256xf32, #tpu.memory_space<any>> -> memref<1x768x256xf32, #tpu.memory_space<any>>
    %dma_wait3A_156 = tpu.memref_squeeze %dma_wait3A_155 : memref<1x768x256xf32, #tpu.memory_space<any>> -> memref<768x256xf32, #tpu.memory_space<any>>
    tpu.wait_dma2 semaphore(%dma_wait3A_148 : memref<!tpu.dma_semaphore, #tpu.memory_space<semaphore_mem>>) src(%dma_wait3A_156 : memref<768x256xf32, #tpu.memory_space<any>>) dst(%dma_wait3A_152 : memref<768x256xf32, #tpu.memory_space<vmem>>)
    %dma_wait3A_157 = arith.constant 0 : i32
    %dma_wait3A_158 = arith.constant 0 : i32
    %dma_wait3A_159 = arith.constant 0 : i32
    %dma_wait3A_160 = arith.constant 1 : i32
    %dma_wait3A_161 = tpu.memref_slice %arg10[%dma_wait3A_159, %dma_wait3A_160] : memref<8x3x!tpu.dma_semaphore, #tpu.memory_space<semaphore_mem>> -> memref<1x1x!tpu.dma_semaphore, #tpu.memory_space<semaphore_mem>>
    %dma_wait3A_162 = tpu.memref_squeeze %dma_wait3A_161 : memref<1x1x!tpu.dma_semaphore, #tpu.memory_space<semaphore_mem>> -> memref<!tpu.dma_semaphore, #tpu.memory_space<semaphore_mem>>
    %dma_wait3A_163 = arith.constant 0 : i32
    %dma_wait3A_164 = arith.constant 0 : i32
    %dma_wait3A_165 = tpu.memref_slice %arg8[%dma_wait3A_158, %dma_wait3A_163, %dma_wait3A_164] : memref<8x768x256xf32, #tpu.memory_space<vmem>> -> memref<1x768x256xf32, #tpu.memory_space<vmem>>
    %dma_wait3A_166 = tpu.memref_squeeze %dma_wait3A_165 : memref<1x768x256xf32, #tpu.memory_space<vmem>> -> memref<768x256xf32, #tpu.memory_space<vmem>>
    %dma_wait3A_167 = arith.constant 0 : i32
    %dma_wait3A_168 = arith.constant 0 : i32
    %dma_wait3A_169 = tpu.memref_slice %arg4[%dma_wait3A_157, %dma_wait3A_167, %dma_wait3A_168] : memref<8x768x256xf32, #tpu.memory_space<any>> -> memref<1x768x256xf32, #tpu.memory_space<any>>
    %dma_wait3A_170 = tpu.memref_squeeze %dma_wait3A_169 : memref<1x768x256xf32, #tpu.memory_space<any>> -> memref<768x256xf32, #tpu.memory_space<any>>
    tpu.wait_dma2 semaphore(%dma_wait3A_162 : memref<!tpu.dma_semaphore, #tpu.memory_space<semaphore_mem>>) src(%dma_wait3A_170 : memref<768x256xf32, #tpu.memory_space<any>>) dst(%dma_wait3A_166 : memref<768x256xf32, #tpu.memory_space<vmem>>)
    %dma_wait3A_171 = arith.constant 0 : i32
    %dma_wait3A_172 = arith.constant 0 : i32
    %dma_wait3A_173 = arith.constant 0 : i32
    %dma_wait3A_174 = arith.constant 2 : i32
    %dma_wait3A_175 = tpu.memref_slice %arg10[%dma_wait3A_173, %dma_wait3A_174] : memref<8x3x!tpu.dma_semaphore, #tpu.memory_space<semaphore_mem>> -> memref<1x1x!tpu.dma_semaphore, #tpu.memory_space<semaphore_mem>>
    %dma_wait3A_176 = tpu.memref_squeeze %dma_wait3A_175 : memref<1x1x!tpu.dma_semaphore, #tpu.memory_space<semaphore_mem>> -> memref<!tpu.dma_semaphore, #tpu.memory_space<semaphore_mem>>
    %dma_wait3A_177 = arith.constant 0 : i32
    %dma_wait3A_178 = arith.constant 0 : i32
    %dma_wait3A_179 = tpu.memref_slice %arg9[%dma_wait3A_172, %dma_wait3A_177, %dma_wait3A_178] : memref<8x256x768xf32, #tpu.memory_space<vmem>> -> memref<1x256x768xf32, #tpu.memory_space<vmem>>
    %dma_wait3A_180 = tpu.memref_squeeze %dma_wait3A_179 : memref<1x256x768xf32, #tpu.memory_space<vmem>> -> memref<256x768xf32, #tpu.memory_space<vmem>>
    %dma_wait3A_181 = arith.constant 0 : i32
    %dma_wait3A_182 = arith.constant 0 : i32
    %dma_wait3A_183 = tpu.memref_slice %arg5[%dma_wait3A_171, %dma_wait3A_181, %dma_wait3A_182] : memref<8x256x768xf32, #tpu.memory_space<any>> -> memref<1x256x768xf32, #tpu.memory_space<any>>
    %dma_wait3A_184 = tpu.memref_squeeze %dma_wait3A_183 : memref<1x256x768xf32, #tpu.memory_space<any>> -> memref<256x768xf32, #tpu.memory_space<any>>
    tpu.wait_dma2 semaphore(%dma_wait3A_176 : memref<!tpu.dma_semaphore, #tpu.memory_space<semaphore_mem>>) src(%dma_wait3A_184 : memref<256x768xf32, #tpu.memory_space<any>>) dst(%dma_wait3A_180 : memref<256x768xf32, #tpu.memory_space<vmem>>)
    %convert_element_type3A = arith.truncf %mul3A_96 : vector<128x768xf32> to vector<128x768xbf16>
    %get3A_185 = arith.constant 0 : index
    %get3A_186 = arith.constant 0 : index
    %get3A_187 = arith.constant 0 : index
    %get3A_188 = vector.load %arg7[%get3A_185, %get3A_186, %get3A_187] : memref<8x768x256xf32, #tpu.memory_space<vmem>>, vector<1x768x256xf32>
    %get3A_189 = vector.shape_cast %get3A_188 : vector<1x768x256xf32> to vector<768x256xf32>
    %convert_element_type3A_190 = arith.truncf %get3A_189 : vector<768x256xf32> to vector<768x256xbf16>
    %dot_general3A = arith.constant dense<0.000000e+00> : vector<128x256xf32>
    %dot_general3A_191 = tpu.matmul %convert_element_type3A, %convert_element_type3A_190, %dot_general3A {dimension_numbers = #tpu.dot_dimension_numbers<[1], [0], [0], [1], [0, 0, 1, 1], [], []>, transpose_lhs_hint = false} : vector<128x768xbf16>, vector<768x256xbf16>, vector<128x256xf32> -> vector<128x256xf32>
    %get3A_192 = arith.constant 0 : index
    %get3A_193 = arith.constant 0 : index
    %get3A_194 = arith.constant 0 : index
    %get3A_195 = vector.load %arg8[%get3A_192, %get3A_193, %get3A_194] : memref<8x768x256xf32, #tpu.memory_space<vmem>>, vector<1x768x256xf32>
    %get3A_196 = vector.shape_cast %get3A_195 : vector<1x768x256xf32> to vector<768x256xf32>
    %convert_element_type3A_197 = arith.truncf %get3A_196 : vector<768x256xf32> to vector<768x256xbf16>
    %dot_general3A_198 = arith.constant dense<0.000000e+00> : vector<128x256xf32>
    %dot_general3A_199 = tpu.matmul %convert_element_type3A, %convert_element_type3A_197, %dot_general3A_198 {dimension_numbers = #tpu.dot_dimension_numbers<[1], [0], [0], [1], [0, 0, 1, 1], [], []>, transpose_lhs_hint = false} : vector<128x768xbf16>, vector<768x256xbf16>, vector<128x256xf32> -> vector<128x256xf32>
    %logistic3A = arith.negf %dot_general3A_191 : vector<128x256xf32>
    %logistic3A_200 = math.exp %logistic3A : vector<128x256xf32>
    %logistic3A_201 = arith.constant 1.000000e+00 : f32
    %logistic3A_202 = vector.broadcast %logistic3A_201 : f32 to vector<128x256xf32>
    %logistic3A_203 = arith.addf %logistic3A_202, %logistic3A_200 : vector<128x256xf32>
    %logistic3A_204 = arith.divf %logistic3A_202, %logistic3A_203 : vector<128x256xf32>
    %mul3A_205 = arith.mulf %dot_general3A_191, %logistic3A_204 : vector<128x256xf32>
    %mul3A_206 = arith.mulf %mul3A_205, %dot_general3A_199 : vector<128x256xf32>
    %convert_element_type3A_207 = arith.truncf %mul3A_206 : vector<128x256xf32> to vector<128x256xbf16>
    %get3A_208 = arith.constant 0 : index
    %get3A_209 = arith.constant 0 : index
    %get3A_210 = arith.constant 0 : index
    %get3A_211 = vector.load %arg9[%get3A_208, %get3A_209, %get3A_210] : memref<8x256x768xf32, #tpu.memory_space<vmem>>, vector<1x256x768xf32>
    %get3A_212 = vector.shape_cast %get3A_211 : vector<1x256x768xf32> to vector<256x768xf32>
    %convert_element_type3A_213 = arith.truncf %get3A_212 : vector<256x768xf32> to vector<256x768xbf16>
    %dot_general3A_214 = arith.constant dense<0.000000e+00> : vector<128x768xf32>
    %dot_general3A_215 = tpu.matmul %convert_element_type3A_207, %convert_element_type3A_213, %dot_general3A_214 {dimension_numbers = #tpu.dot_dimension_numbers<[1], [0], [0], [1], [0, 0, 1, 1], [], []>, transpose_lhs_hint = false} : vector<128x256xbf16>, vector<256x768xbf16>, vector<128x768xf32> -> vector<128x768xf32>
    %eq3A = arith.constant 0 : i32
    %eq3A_216 = vector.broadcast %eq3A : i32 to vector<128x8xi32>
    %eq3A_217 = arith.cmpi eq, %iota3A, %eq3A_216 : vector<128x8xi32>
    %jit3A = arith.constant 0.000000e+00 : f32
    %broadcast_in_dim3A_218 = vector.broadcast %jit3A : f32 to vector<128x8xf32>
    %select_n3A = arith.select %eq3A_217, %get3A_99, %broadcast_in_dim3A_218 : vector<128x8xi1>, vector<128x8xf32>
    %reduce_sum3A_219 = arith.constant dense<0.000000e+00> : vector<128xf32>
    %reduce_sum3A_220 = vector.multi_reduction <add>, %select_n3A, %reduce_sum3A_219 [1] : vector<128x8xf32> to vector<128xf32>
    %broadcast_in_dim3A_221 = vector.shape_cast %reduce_sum3A_220 : vector<128xf32> to vector<128x1xf32>
    %mul3A_222 = vector.broadcast %broadcast_in_dim3A_221 : vector<128x1xf32> to vector<128x768xf32>
    %mul3A_223 = arith.mulf %mul3A_222, %dot_general3A_215 : vector<128x768xf32>
    %add3A_224 = arith.addf %broadcast_in_dim3A_101, %mul3A_223 : vector<128x768xf32>
    %dma_start3A_225 = arith.constant 3 : i32
    %dma_start3A_226 = arith.constant 3 : i32
    %dma_start3A_227 = arith.constant 3 : i32
    %dma_start3A_228 = arith.constant 0 : i32
    %dma_start3A_229 = tpu.memref_slice %arg10[%dma_start3A_227, %dma_start3A_228] : memref<8x3x!tpu.dma_semaphore, #tpu.memory_space<semaphore_mem>> -> memref<1x1x!tpu.dma_semaphore, #tpu.memory_space<semaphore_mem>>
    %dma_start3A_230 = tpu.memref_squeeze %dma_start3A_229 : memref<1x1x!tpu.dma_semaphore, #tpu.memory_space<semaphore_mem>> -> memref<!tpu.dma_semaphore, #tpu.memory_space<semaphore_mem>>
    %dma_start3A_231 = arith.constant 0 : i32
    %dma_start3A_232 = arith.constant 0 : i32
    %dma_start3A_233 = tpu.memref_slice %arg7[%dma_start3A_226, %dma_start3A_231, %dma_start3A_232] : memref<8x768x256xf32, #tpu.memory_space<vmem>> -> memref<1x768x256xf32, #tpu.memory_space<vmem>>
    %dma_start3A_234 = tpu.memref_squeeze %dma_start3A_233 : memref<1x768x256xf32, #tpu.memory_space<vmem>> -> memref<768x256xf32, #tpu.memory_space<vmem>>
    %dma_start3A_235 = arith.constant 0 : i32
    %dma_start3A_236 = arith.constant 0 : i32
    %dma_start3A_237 = tpu.memref_slice %arg3[%dma_start3A_225, %dma_start3A_235, %dma_start3A_236] : memref<8x768x256xf32, #tpu.memory_space<any>> -> memref<1x768x256xf32, #tpu.memory_space<any>>
    %dma_start3A_238 = tpu.memref_squeeze %dma_start3A_237 : memref<1x768x256xf32, #tpu.memory_space<any>> -> memref<768x256xf32, #tpu.memory_space<any>>
    tpu.enqueue_dma source(%dma_start3A_238 : memref<768x256xf32, #tpu.memory_space<any>>) target(%dma_start3A_234 : memref<768x256xf32, #tpu.memory_space<vmem>>) target_semaphore(%dma_start3A_230 : memref<!tpu.dma_semaphore, #tpu.memory_space<semaphore_mem>>)
    %dma_start3A_239 = arith.constant 3 : i32
    %dma_start3A_240 = arith.constant 3 : i32
    %dma_start3A_241 = arith.constant 3 : i32
    %dma_start3A_242 = arith.constant 1 : i32
    %dma_start3A_243 = tpu.memref_slice %arg10[%dma_start3A_241, %dma_start3A_242] : memref<8x3x!tpu.dma_semaphore, #tpu.memory_space<semaphore_mem>> -> memref<1x1x!tpu.dma_semaphore, #tpu.memory_space<semaphore_mem>>
    %dma_start3A_244 = tpu.memref_squeeze %dma_start3A_243 : memref<1x1x!tpu.dma_semaphore, #tpu.memory_space<semaphore_mem>> -> memref<!tpu.dma_semaphore, #tpu.memory_space<semaphore_mem>>
    %dma_start3A_245 = arith.constant 0 : i32
    %dma_start3A_246 = arith.constant 0 : i32
    %dma_start3A_247 = tpu.memref_slice %arg8[%dma_start3A_240, %dma_start3A_245, %dma_start3A_246] : memref<8x768x256xf32, #tpu.memory_space<vmem>> -> memref<1x768x256xf32, #tpu.memory_space<vmem>>
    %dma_start3A_248 = tpu.memref_squeeze %dma_start3A_247 : memref<1x768x256xf32, #tpu.memory_space<vmem>> -> memref<768x256xf32, #tpu.memory_space<vmem>>
    %dma_start3A_249 = arith.constant 0 : i32
    %dma_start3A_250 = arith.constant 0 : i32
    %dma_start3A_251 = tpu.memref_slice %arg4[%dma_start3A_239, %dma_start3A_249, %dma_start3A_250] : memref<8x768x256xf32, #tpu.memory_space<any>> -> memref<1x768x256xf32, #tpu.memory_space<any>>
    %dma_start3A_252 = tpu.memref_squeeze %dma_start3A_251 : memref<1x768x256xf32, #tpu.memory_space<any>> -> memref<768x256xf32, #tpu.memory_space<any>>
    tpu.enqueue_dma source(%dma_start3A_252 : memref<768x256xf32, #tpu.memory_space<any>>) target(%dma_start3A_248 : memref<768x256xf32, #tpu.memory_space<vmem>>) target_semaphore(%dma_start3A_244 : memref<!tpu.dma_semaphore, #tpu.memory_space<semaphore_mem>>)
    %dma_start3A_253 = arith.constant 3 : i32
    %dma_start3A_254 = arith.constant 3 : i32
    %dma_start3A_255 = arith.constant 3 : i32
    %dma_start3A_256 = arith.constant 2 : i32
    %dma_start3A_257 = tpu.memref_slice %arg10[%dma_start3A_255, %dma_start3A_256] : memref<8x3x!tpu.dma_semaphore, #tpu.memory_space<semaphore_mem>> -> memref<1x1x!tpu.dma_semaphore, #tpu.memory_space<semaphore_mem>>
    %dma_start3A_258 = tpu.memref_squeeze %dma_start3A_257 : memref<1x1x!tpu.dma_semaphore, #tpu.memory_space<semaphore_mem>> -> memref<!tpu.dma_semaphore, #tpu.memory_space<semaphore_mem>>
    %dma_start3A_259 = arith.constant 0 : i32
    %dma_start3A_260 = arith.constant 0 : i32
    %dma_start3A_261 = tpu.memref_slice %arg9[%dma_start3A_254, %dma_start3A_259, %dma_start3A_260] : memref<8x256x768xf32, #tpu.memory_space<vmem>> -> memref<1x256x768xf32, #tpu.memory_space<vmem>>
    %dma_start3A_262 = tpu.memref_squeeze %dma_start3A_261 : memref<1x256x768xf32, #tpu.memory_space<vmem>> -> memref<256x768xf32, #tpu.memory_space<vmem>>
    %dma_start3A_263 = arith.constant 0 : i32
    %dma_start3A_264 = arith.constant 0 : i32
    %dma_start3A_265 = tpu.memref_slice %arg5[%dma_start3A_253, %dma_start3A_263, %dma_start3A_264] : memref<8x256x768xf32, #tpu.memory_space<any>> -> memref<1x256x768xf32, #tpu.memory_space<any>>
    %dma_start3A_266 = tpu.memref_squeeze %dma_start3A_265 : memref<1x256x768xf32, #tpu.memory_space<any>> -> memref<256x768xf32, #tpu.memory_space<any>>
    tpu.enqueue_dma source(%dma_start3A_266 : memref<256x768xf32, #tpu.memory_space<any>>) target(%dma_start3A_262 : memref<256x768xf32, #tpu.memory_space<vmem>>) target_semaphore(%dma_start3A_258 : memref<!tpu.dma_semaphore, #tpu.memory_space<semaphore_mem>>)
    %dma_wait3A_267 = arith.constant 1 : i32
    %dma_wait3A_268 = arith.constant 1 : i32
    %dma_wait3A_269 = arith.constant 1 : i32
    %dma_wait3A_270 = arith.constant 0 : i32
    %dma_wait3A_271 = tpu.memref_slice %arg10[%dma_wait3A_269, %dma_wait3A_270] : memref<8x3x!tpu.dma_semaphore, #tpu.memory_space<semaphore_mem>> -> memref<1x1x!tpu.dma_semaphore, #tpu.memory_space<semaphore_mem>>
    %dma_wait3A_272 = tpu.memref_squeeze %dma_wait3A_271 : memref<1x1x!tpu.dma_semaphore, #tpu.memory_space<semaphore_mem>> -> memref<!tpu.dma_semaphore, #tpu.memory_space<semaphore_mem>>
    %dma_wait3A_273 = arith.constant 0 : i32
    %dma_wait3A_274 = arith.constant 0 : i32
    %dma_wait3A_275 = tpu.memref_slice %arg7[%dma_wait3A_268, %dma_wait3A_273, %dma_wait3A_274] : memref<8x768x256xf32, #tpu.memory_space<vmem>> -> memref<1x768x256xf32, #tpu.memory_space<vmem>>
    %dma_wait3A_276 = tpu.memref_squeeze %dma_wait3A_275 : memref<1x768x256xf32, #tpu.memory_space<vmem>> -> memref<768x256xf32, #tpu.memory_space<vmem>>
    %dma_wait3A_277 = arith.constant 0 : i32
    %dma_wait3A_278 = arith.constant 0 : i32
    %dma_wait3A_279 = tpu.memref_slice %arg3[%dma_wait3A_267, %dma_wait3A_277, %dma_wait3A_278] : memref<8x768x256xf32, #tpu.memory_space<any>> -> memref<1x768x256xf32, #tpu.memory_space<any>>
    %dma_wait3A_280 = tpu.memref_squeeze %dma_wait3A_279 : memref<1x768x256xf32, #tpu.memory_space<any>> -> memref<768x256xf32, #tpu.memory_space<any>>
    tpu.wait_dma2 semaphore(%dma_wait3A_272 : memref<!tpu.dma_semaphore, #tpu.memory_space<semaphore_mem>>) src(%dma_wait3A_280 : memref<768x256xf32, #tpu.memory_space<any>>) dst(%dma_wait3A_276 : memref<768x256xf32, #tpu.memory_space<vmem>>)
    %dma_wait3A_281 = arith.constant 1 : i32
    %dma_wait3A_282 = arith.constant 1 : i32
    %dma_wait3A_283 = arith.constant 1 : i32
    %dma_wait3A_284 = arith.constant 1 : i32
    %dma_wait3A_285 = tpu.memref_slice %arg10[%dma_wait3A_283, %dma_wait3A_284] : memref<8x3x!tpu.dma_semaphore, #tpu.memory_space<semaphore_mem>> -> memref<1x1x!tpu.dma_semaphore, #tpu.memory_space<semaphore_mem>>
    %dma_wait3A_286 = tpu.memref_squeeze %dma_wait3A_285 : memref<1x1x!tpu.dma_semaphore, #tpu.memory_space<semaphore_mem>> -> memref<!tpu.dma_semaphore, #tpu.memory_space<semaphore_mem>>
    %dma_wait3A_287 = arith.constant 0 : i32
    %dma_wait3A_288 = arith.constant 0 : i32
    %dma_wait3A_289 = tpu.memref_slice %arg8[%dma_wait3A_282, %dma_wait3A_287, %dma_wait3A_288] : memref<8x768x256xf32, #tpu.memory_space<vmem>> -> memref<1x768x256xf32, #tpu.memory_space<vmem>>
    %dma_wait3A_290 = tpu.memref_squeeze %dma_wait3A_289 : memref<1x768x256xf32, #tpu.memory_space<vmem>> -> memref<768x256xf32, #tpu.memory_space<vmem>>
    %dma_wait3A_291 = arith.constant 0 : i32
    %dma_wait3A_292 = arith.constant 0 : i32
    %dma_wait3A_293 = tpu.memref_slice %arg4[%dma_wait3A_281, %dma_wait3A_291, %dma_wait3A_292] : memref<8x768x256xf32, #tpu.memory_space<any>> -> memref<1x768x256xf32, #tpu.memory_space<any>>
    %dma_wait3A_294 = tpu.memref_squeeze %dma_wait3A_293 : memref<1x768x256xf32, #tpu.memory_space<any>> -> memref<768x256xf32, #tpu.memory_space<any>>
    tpu.wait_dma2 semaphore(%dma_wait3A_286 : memref<!tpu.dma_semaphore, #tpu.memory_space<semaphore_mem>>) src(%dma_wait3A_294 : memref<768x256xf32, #tpu.memory_space<any>>) dst(%dma_wait3A_290 : memref<768x256xf32, #tpu.memory_space<vmem>>)
    %dma_wait3A_295 = arith.constant 1 : i32
    %dma_wait3A_296 = arith.constant 1 : i32
    %dma_wait3A_297 = arith.constant 1 : i32
    %dma_wait3A_298 = arith.constant 2 : i32
    %dma_wait3A_299 = tpu.memref_slice %arg10[%dma_wait3A_297, %dma_wait3A_298] : memref<8x3x!tpu.dma_semaphore, #tpu.memory_space<semaphore_mem>> -> memref<1x1x!tpu.dma_semaphore, #tpu.memory_space<semaphore_mem>>
    %dma_wait3A_300 = tpu.memref_squeeze %dma_wait3A_299 : memref<1x1x!tpu.dma_semaphore, #tpu.memory_space<semaphore_mem>> -> memref<!tpu.dma_semaphore, #tpu.memory_space<semaphore_mem>>
    %dma_wait3A_301 = arith.constant 0 : i32
    %dma_wait3A_302 = arith.constant 0 : i32
    %dma_wait3A_303 = tpu.memref_slice %arg9[%dma_wait3A_296, %dma_wait3A_301, %dma_wait3A_302] : memref<8x256x768xf32, #tpu.memory_space<vmem>> -> memref<1x256x768xf32, #tpu.memory_space<vmem>>
    %dma_wait3A_304 = tpu.memref_squeeze %dma_wait3A_303 : memref<1x256x768xf32, #tpu.memory_space<vmem>> -> memref<256x768xf32, #tpu.memory_space<vmem>>
    %dma_wait3A_305 = arith.constant 0 : i32
    %dma_wait3A_306 = arith.constant 0 : i32
    %dma_wait3A_307 = tpu.memref_slice %arg5[%dma_wait3A_295, %dma_wait3A_305, %dma_wait3A_306] : memref<8x256x768xf32, #tpu.memory_space<any>> -> memref<1x256x768xf32, #tpu.memory_space<any>>
    %dma_wait3A_308 = tpu.memref_squeeze %dma_wait3A_307 : memref<1x256x768xf32, #tpu.memory_space<any>> -> memref<256x768xf32, #tpu.memory_space<any>>
    tpu.wait_dma2 semaphore(%dma_wait3A_300 : memref<!tpu.dma_semaphore, #tpu.memory_space<semaphore_mem>>) src(%dma_wait3A_308 : memref<256x768xf32, #tpu.memory_space<any>>) dst(%dma_wait3A_304 : memref<256x768xf32, #tpu.memory_space<vmem>>)
    %convert_element_type3A_309 = arith.truncf %mul3A_96 : vector<128x768xf32> to vector<128x768xbf16>
    %get3A_310 = arith.constant 1 : index
    %get3A_311 = arith.constant 0 : index
    %get3A_312 = arith.constant 0 : index
    %get3A_313 = vector.load %arg7[%get3A_310, %get3A_311, %get3A_312] : memref<8x768x256xf32, #tpu.memory_space<vmem>>, vector<1x768x256xf32>
    %get3A_314 = vector.shape_cast %get3A_313 : vector<1x768x256xf32> to vector<768x256xf32>
    %convert_element_type3A_315 = arith.truncf %get3A_314 : vector<768x256xf32> to vector<768x256xbf16>
    %dot_general3A_316 = arith.constant dense<0.000000e+00> : vector<128x256xf32>
    %dot_general3A_317 = tpu.matmul %convert_element_type3A_309, %convert_element_type3A_315, %dot_general3A_316 {dimension_numbers = #tpu.dot_dimension_numbers<[1], [0], [0], [1], [0, 0, 1, 1], [], []>, transpose_lhs_hint = false} : vector<128x768xbf16>, vector<768x256xbf16>, vector<128x256xf32> -> vector<128x256xf32>
    %get3A_318 = arith.constant 1 : index
    %get3A_319 = arith.constant 0 : index
    %get3A_320 = arith.constant 0 : index
    %get3A_321 = vector.load %arg8[%get3A_318, %get3A_319, %get3A_320] : memref<8x768x256xf32, #tpu.memory_space<vmem>>, vector<1x768x256xf32>
    %get3A_322 = vector.shape_cast %get3A_321 : vector<1x768x256xf32> to vector<768x256xf32>
    %convert_element_type3A_323 = arith.truncf %get3A_322 : vector<768x256xf32> to vector<768x256xbf16>
    %dot_general3A_324 = arith.constant dense<0.000000e+00> : vector<128x256xf32>
    %dot_general3A_325 = tpu.matmul %convert_element_type3A_309, %convert_element_type3A_323, %dot_general3A_324 {dimension_numbers = #tpu.dot_dimension_numbers<[1], [0], [0], [1], [0, 0, 1, 1], [], []>, transpose_lhs_hint = false} : vector<128x768xbf16>, vector<768x256xbf16>, vector<128x256xf32> -> vector<128x256xf32>
    %logistic3A_326 = arith.negf %dot_general3A_317 : vector<128x256xf32>
    %logistic3A_327 = math.exp %logistic3A_326 : vector<128x256xf32>
    %logistic3A_328 = arith.constant 1.000000e+00 : f32
    %logistic3A_329 = vector.broadcast %logistic3A_328 : f32 to vector<128x256xf32>
    %logistic3A_330 = arith.addf %logistic3A_329, %logistic3A_327 : vector<128x256xf32>
    %logistic3A_331 = arith.divf %logistic3A_329, %logistic3A_330 : vector<128x256xf32>
    %mul3A_332 = arith.mulf %dot_general3A_317, %logistic3A_331 : vector<128x256xf32>
    %mul3A_333 = arith.mulf %mul3A_332, %dot_general3A_325 : vector<128x256xf32>
    %convert_element_type3A_334 = arith.truncf %mul3A_333 : vector<128x256xf32> to vector<128x256xbf16>
    %get3A_335 = arith.constant 1 : index
    %get3A_336 = arith.constant 0 : index
    %get3A_337 = arith.constant 0 : index
    %get3A_338 = vector.load %arg9[%get3A_335, %get3A_336, %get3A_337] : memref<8x256x768xf32, #tpu.memory_space<vmem>>, vector<1x256x768xf32>
    %get3A_339 = vector.shape_cast %get3A_338 : vector<1x256x768xf32> to vector<256x768xf32>
    %convert_element_type3A_340 = arith.truncf %get3A_339 : vector<256x768xf32> to vector<256x768xbf16>
    %dot_general3A_341 = arith.constant dense<0.000000e+00> : vector<128x768xf32>
    %dot_general3A_342 = tpu.matmul %convert_element_type3A_334, %convert_element_type3A_340, %dot_general3A_341 {dimension_numbers = #tpu.dot_dimension_numbers<[1], [0], [0], [1], [0, 0, 1, 1], [], []>, transpose_lhs_hint = false} : vector<128x256xbf16>, vector<256x768xbf16>, vector<128x768xf32> -> vector<128x768xf32>
    %eq3A_343 = arith.constant 1 : i32
    %eq3A_344 = vector.broadcast %eq3A_343 : i32 to vector<128x8xi32>
    %eq3A_345 = arith.cmpi eq, %iota3A, %eq3A_344 : vector<128x8xi32>
    %jit3A_346 = arith.constant 0.000000e+00 : f32
    %broadcast_in_dim3A_347 = vector.broadcast %jit3A_346 : f32 to vector<128x8xf32>
    %select_n3A_348 = arith.select %eq3A_345, %get3A_99, %broadcast_in_dim3A_347 : vector<128x8xi1>, vector<128x8xf32>
    %reduce_sum3A_349 = arith.constant dense<0.000000e+00> : vector<128xf32>
    %reduce_sum3A_350 = vector.multi_reduction <add>, %select_n3A_348, %reduce_sum3A_349 [1] : vector<128x8xf32> to vector<128xf32>
    %broadcast_in_dim3A_351 = vector.shape_cast %reduce_sum3A_350 : vector<128xf32> to vector<128x1xf32>
    %mul3A_352 = vector.broadcast %broadcast_in_dim3A_351 : vector<128x1xf32> to vector<128x768xf32>
    %mul3A_353 = arith.mulf %mul3A_352, %dot_general3A_342 : vector<128x768xf32>
    %add3A_354 = arith.addf %add3A_224, %mul3A_353 : vector<128x768xf32>
    %dma_start3A_355 = arith.constant 4 : i32
    %dma_start3A_356 = arith.constant 4 : i32
    %dma_start3A_357 = arith.constant 4 : i32
    %dma_start3A_358 = arith.constant 0 : i32
    %dma_start3A_359 = tpu.memref_slice %arg10[%dma_start3A_357, %dma_start3A_358] : memref<8x3x!tpu.dma_semaphore, #tpu.memory_space<semaphore_mem>> -> memref<1x1x!tpu.dma_semaphore, #tpu.memory_space<semaphore_mem>>
    %dma_start3A_360 = tpu.memref_squeeze %dma_start3A_359 : memref<1x1x!tpu.dma_semaphore, #tpu.memory_space<semaphore_mem>> -> memref<!tpu.dma_semaphore, #tpu.memory_space<semaphore_mem>>
    %dma_start3A_361 = arith.constant 0 : i32
    %dma_start3A_362 = arith.constant 0 : i32
    %dma_start3A_363 = tpu.memref_slice %arg7[%dma_start3A_356, %dma_start3A_361, %dma_start3A_362] : memref<8x768x256xf32, #tpu.memory_space<vmem>> -> memref<1x768x256xf32, #tpu.memory_space<vmem>>
    %dma_start3A_364 = tpu.memref_squeeze %dma_start3A_363 : memref<1x768x256xf32, #tpu.memory_space<vmem>> -> memref<768x256xf32, #tpu.memory_space<vmem>>
    %dma_start3A_365 = arith.constant 0 : i32
    %dma_start3A_366 = arith.constant 0 : i32
    %dma_start3A_367 = tpu.memref_slice %arg3[%dma_start3A_355, %dma_start3A_365, %dma_start3A_366] : memref<8x768x256xf32, #tpu.memory_space<any>> -> memref<1x768x256xf32, #tpu.memory_space<any>>
    %dma_start3A_368 = tpu.memref_squeeze %dma_start3A_367 : memref<1x768x256xf32, #tpu.memory_space<any>> -> memref<768x256xf32, #tpu.memory_space<any>>
    tpu.enqueue_dma source(%dma_start3A_368 : memref<768x256xf32, #tpu.memory_space<any>>) target(%dma_start3A_364 : memref<768x256xf32, #tpu.memory_space<vmem>>) target_semaphore(%dma_start3A_360 : memref<!tpu.dma_semaphore, #tpu.memory_space<semaphore_mem>>)
    %dma_start3A_369 = arith.constant 4 : i32
    %dma_start3A_370 = arith.constant 4 : i32
    %dma_start3A_371 = arith.constant 4 : i32
    %dma_start3A_372 = arith.constant 1 : i32
    %dma_start3A_373 = tpu.memref_slice %arg10[%dma_start3A_371, %dma_start3A_372] : memref<8x3x!tpu.dma_semaphore, #tpu.memory_space<semaphore_mem>> -> memref<1x1x!tpu.dma_semaphore, #tpu.memory_space<semaphore_mem>>
    %dma_start3A_374 = tpu.memref_squeeze %dma_start3A_373 : memref<1x1x!tpu.dma_semaphore, #tpu.memory_space<semaphore_mem>> -> memref<!tpu.dma_semaphore, #tpu.memory_space<semaphore_mem>>
    %dma_start3A_375 = arith.constant 0 : i32
    %dma_start3A_376 = arith.constant 0 : i32
    %dma_start3A_377 = tpu.memref_slice %arg8[%dma_start3A_370, %dma_start3A_375, %dma_start3A_376] : memref<8x768x256xf32, #tpu.memory_space<vmem>> -> memref<1x768x256xf32, #tpu.memory_space<vmem>>
    %dma_start3A_378 = tpu.memref_squeeze %dma_start3A_377 : memref<1x768x256xf32, #tpu.memory_space<vmem>> -> memref<768x256xf32, #tpu.memory_space<vmem>>
    %dma_start3A_379 = arith.constant 0 : i32
    %dma_start3A_380 = arith.constant 0 : i32
    %dma_start3A_381 = tpu.memref_slice %arg4[%dma_start3A_369, %dma_start3A_379, %dma_start3A_380] : memref<8x768x256xf32, #tpu.memory_space<any>> -> memref<1x768x256xf32, #tpu.memory_space<any>>
    %dma_start3A_382 = tpu.memref_squeeze %dma_start3A_381 : memref<1x768x256xf32, #tpu.memory_space<any>> -> memref<768x256xf32, #tpu.memory_space<any>>
    tpu.enqueue_dma source(%dma_start3A_382 : memref<768x256xf32, #tpu.memory_space<any>>) target(%dma_start3A_378 : memref<768x256xf32, #tpu.memory_space<vmem>>) target_semaphore(%dma_start3A_374 : memref<!tpu.dma_semaphore, #tpu.memory_space<semaphore_mem>>)
    %dma_start3A_383 = arith.constant 4 : i32
    %dma_start3A_384 = arith.constant 4 : i32
    %dma_start3A_385 = arith.constant 4 : i32
    %dma_start3A_386 = arith.constant 2 : i32
    %dma_start3A_387 = tpu.memref_slice %arg10[%dma_start3A_385, %dma_start3A_386] : memref<8x3x!tpu.dma_semaphore, #tpu.memory_space<semaphore_mem>> -> memref<1x1x!tpu.dma_semaphore, #tpu.memory_space<semaphore_mem>>
    %dma_start3A_388 = tpu.memref_squeeze %dma_start3A_387 : memref<1x1x!tpu.dma_semaphore, #tpu.memory_space<semaphore_mem>> -> memref<!tpu.dma_semaphore, #tpu.memory_space<semaphore_mem>>
    %dma_start3A_389 = arith.constant 0 : i32
    %dma_start3A_390 = arith.constant 0 : i32
    %dma_start3A_391 = tpu.memref_slice %arg9[%dma_start3A_384, %dma_start3A_389, %dma_start3A_390] : memref<8x256x768xf32, #tpu.memory_space<vmem>> -> memref<1x256x768xf32, #tpu.memory_space<vmem>>
    %dma_start3A_392 = tpu.memref_squeeze %dma_start3A_391 : memref<1x256x768xf32, #tpu.memory_space<vmem>> -> memref<256x768xf32, #tpu.memory_space<vmem>>
    %dma_start3A_393 = arith.constant 0 : i32
    %dma_start3A_394 = arith.constant 0 : i32
    %dma_start3A_395 = tpu.memref_slice %arg5[%dma_start3A_383, %dma_start3A_393, %dma_start3A_394] : memref<8x256x768xf32, #tpu.memory_space<any>> -> memref<1x256x768xf32, #tpu.memory_space<any>>
    %dma_start3A_396 = tpu.memref_squeeze %dma_start3A_395 : memref<1x256x768xf32, #tpu.memory_space<any>> -> memref<256x768xf32, #tpu.memory_space<any>>
    tpu.enqueue_dma source(%dma_start3A_396 : memref<256x768xf32, #tpu.memory_space<any>>) target(%dma_start3A_392 : memref<256x768xf32, #tpu.memory_space<vmem>>) target_semaphore(%dma_start3A_388 : memref<!tpu.dma_semaphore, #tpu.memory_space<semaphore_mem>>)
    %dma_wait3A_397 = arith.constant 2 : i32
    %dma_wait3A_398 = arith.constant 2 : i32
    %dma_wait3A_399 = arith.constant 2 : i32
    %dma_wait3A_400 = arith.constant 0 : i32
    %dma_wait3A_401 = tpu.memref_slice %arg10[%dma_wait3A_399, %dma_wait3A_400] : memref<8x3x!tpu.dma_semaphore, #tpu.memory_space<semaphore_mem>> -> memref<1x1x!tpu.dma_semaphore, #tpu.memory_space<semaphore_mem>>
    %dma_wait3A_402 = tpu.memref_squeeze %dma_wait3A_401 : memref<1x1x!tpu.dma_semaphore, #tpu.memory_space<semaphore_mem>> -> memref<!tpu.dma_semaphore, #tpu.memory_space<semaphore_mem>>
    %dma_wait3A_403 = arith.constant 0 : i32
    %dma_wait3A_404 = arith.constant 0 : i32
    %dma_wait3A_405 = tpu.memref_slice %arg7[%dma_wait3A_398, %dma_wait3A_403, %dma_wait3A_404] : memref<8x768x256xf32, #tpu.memory_space<vmem>> -> memref<1x768x256xf32, #tpu.memory_space<vmem>>
    %dma_wait3A_406 = tpu.memref_squeeze %dma_wait3A_405 : memref<1x768x256xf32, #tpu.memory_space<vmem>> -> memref<768x256xf32, #tpu.memory_space<vmem>>
    %dma_wait3A_407 = arith.constant 0 : i32
    %dma_wait3A_408 = arith.constant 0 : i32
    %dma_wait3A_409 = tpu.memref_slice %arg3[%dma_wait3A_397, %dma_wait3A_407, %dma_wait3A_408] : memref<8x768x256xf32, #tpu.memory_space<any>> -> memref<1x768x256xf32, #tpu.memory_space<any>>
    %dma_wait3A_410 = tpu.memref_squeeze %dma_wait3A_409 : memref<1x768x256xf32, #tpu.memory_space<any>> -> memref<768x256xf32, #tpu.memory_space<any>>
    tpu.wait_dma2 semaphore(%dma_wait3A_402 : memref<!tpu.dma_semaphore, #tpu.memory_space<semaphore_mem>>) src(%dma_wait3A_410 : memref<768x256xf32, #tpu.memory_space<any>>) dst(%dma_wait3A_406 : memref<768x256xf32, #tpu.memory_space<vmem>>)
    %dma_wait3A_411 = arith.constant 2 : i32
    %dma_wait3A_412 = arith.constant 2 : i32
    %dma_wait3A_413 = arith.constant 2 : i32
    %dma_wait3A_414 = arith.constant 1 : i32
    %dma_wait3A_415 = tpu.memref_slice %arg10[%dma_wait3A_413, %dma_wait3A_414] : memref<8x3x!tpu.dma_semaphore, #tpu.memory_space<semaphore_mem>> -> memref<1x1x!tpu.dma_semaphore, #tpu.memory_space<semaphore_mem>>
    %dma_wait3A_416 = tpu.memref_squeeze %dma_wait3A_415 : memref<1x1x!tpu.dma_semaphore, #tpu.memory_space<semaphore_mem>> -> memref<!tpu.dma_semaphore, #tpu.memory_space<semaphore_mem>>
    %dma_wait3A_417 = arith.constant 0 : i32
    %dma_wait3A_418 = arith.constant 0 : i32
    %dma_wait3A_419 = tpu.memref_slice %arg8[%dma_wait3A_412, %dma_wait3A_417, %dma_wait3A_418] : memref<8x768x256xf32, #tpu.memory_space<vmem>> -> memref<1x768x256xf32, #tpu.memory_space<vmem>>
    %dma_wait3A_420 = tpu.memref_squeeze %dma_wait3A_419 : memref<1x768x256xf32, #tpu.memory_space<vmem>> -> memref<768x256xf32, #tpu.memory_space<vmem>>
    %dma_wait3A_421 = arith.constant 0 : i32
    %dma_wait3A_422 = arith.constant 0 : i32
    %dma_wait3A_423 = tpu.memref_slice %arg4[%dma_wait3A_411, %dma_wait3A_421, %dma_wait3A_422] : memref<8x768x256xf32, #tpu.memory_space<any>> -> memref<1x768x256xf32, #tpu.memory_space<any>>
    %dma_wait3A_424 = tpu.memref_squeeze %dma_wait3A_423 : memref<1x768x256xf32, #tpu.memory_space<any>> -> memref<768x256xf32, #tpu.memory_space<any>>
    tpu.wait_dma2 semaphore(%dma_wait3A_416 : memref<!tpu.dma_semaphore, #tpu.memory_space<semaphore_mem>>) src(%dma_wait3A_424 : memref<768x256xf32, #tpu.memory_space<any>>) dst(%dma_wait3A_420 : memref<768x256xf32, #tpu.memory_space<vmem>>)
    %dma_wait3A_425 = arith.constant 2 : i32
    %dma_wait3A_426 = arith.constant 2 : i32
    %dma_wait3A_427 = arith.constant 2 : i32
    %dma_wait3A_428 = arith.constant 2 : i32
    %dma_wait3A_429 = tpu.memref_slice %arg10[%dma_wait3A_427, %dma_wait3A_428] : memref<8x3x!tpu.dma_semaphore, #tpu.memory_space<semaphore_mem>> -> memref<1x1x!tpu.dma_semaphore, #tpu.memory_space<semaphore_mem>>
    %dma_wait3A_430 = tpu.memref_squeeze %dma_wait3A_429 : memref<1x1x!tpu.dma_semaphore, #tpu.memory_space<semaphore_mem>> -> memref<!tpu.dma_semaphore, #tpu.memory_space<semaphore_mem>>
    %dma_wait3A_431 = arith.constant 0 : i32
    %dma_wait3A_432 = arith.constant 0 : i32
    %dma_wait3A_433 = tpu.memref_slice %arg9[%dma_wait3A_426, %dma_wait3A_431, %dma_wait3A_432] : memref<8x256x768xf32, #tpu.memory_space<vmem>> -> memref<1x256x768xf32, #tpu.memory_space<vmem>>
    %dma_wait3A_434 = tpu.memref_squeeze %dma_wait3A_433 : memref<1x256x768xf32, #tpu.memory_space<vmem>> -> memref<256x768xf32, #tpu.memory_space<vmem>>
    %dma_wait3A_435 = arith.constant 0 : i32
    %dma_wait3A_436 = arith.constant 0 : i32
    %dma_wait3A_437 = tpu.memref_slice %arg5[%dma_wait3A_425, %dma_wait3A_435, %dma_wait3A_436] : memref<8x256x768xf32, #tpu.memory_space<any>> -> memref<1x256x768xf32, #tpu.memory_space<any>>
    %dma_wait3A_438 = tpu.memref_squeeze %dma_wait3A_437 : memref<1x256x768xf32, #tpu.memory_space<any>> -> memref<256x768xf32, #tpu.memory_space<any>>
    tpu.wait_dma2 semaphore(%dma_wait3A_430 : memref<!tpu.dma_semaphore, #tpu.memory_space<semaphore_mem>>) src(%dma_wait3A_438 : memref<256x768xf32, #tpu.memory_space<any>>) dst(%dma_wait3A_434 : memref<256x768xf32, #tpu.memory_space<vmem>>)
    %convert_element_type3A_439 = arith.truncf %mul3A_96 : vector<128x768xf32> to vector<128x768xbf16>
    %get3A_440 = arith.constant 2 : index
    %get3A_441 = arith.constant 0 : index
    %get3A_442 = arith.constant 0 : index
    %get3A_443 = vector.load %arg7[%get3A_440, %get3A_441, %get3A_442] : memref<8x768x256xf32, #tpu.memory_space<vmem>>, vector<1x768x256xf32>
    %get3A_444 = vector.shape_cast %get3A_443 : vector<1x768x256xf32> to vector<768x256xf32>
    %convert_element_type3A_445 = arith.truncf %get3A_444 : vector<768x256xf32> to vector<768x256xbf16>
    %dot_general3A_446 = arith.constant dense<0.000000e+00> : vector<128x256xf32>
    %dot_general3A_447 = tpu.matmul %convert_element_type3A_439, %convert_element_type3A_445, %dot_general3A_446 {dimension_numbers = #tpu.dot_dimension_numbers<[1], [0], [0], [1], [0, 0, 1, 1], [], []>, transpose_lhs_hint = false} : vector<128x768xbf16>, vector<768x256xbf16>, vector<128x256xf32> -> vector<128x256xf32>
    %get3A_448 = arith.constant 2 : index
    %get3A_449 = arith.constant 0 : index
    %get3A_450 = arith.constant 0 : index
    %get3A_451 = vector.load %arg8[%get3A_448, %get3A_449, %get3A_450] : memref<8x768x256xf32, #tpu.memory_space<vmem>>, vector<1x768x256xf32>
    %get3A_452 = vector.shape_cast %get3A_451 : vector<1x768x256xf32> to vector<768x256xf32>
    %convert_element_type3A_453 = arith.truncf %get3A_452 : vector<768x256xf32> to vector<768x256xbf16>
    %dot_general3A_454 = arith.constant dense<0.000000e+00> : vector<128x256xf32>
    %dot_general3A_455 = tpu.matmul %convert_element_type3A_439, %convert_element_type3A_453, %dot_general3A_454 {dimension_numbers = #tpu.dot_dimension_numbers<[1], [0], [0], [1], [0, 0, 1, 1], [], []>, transpose_lhs_hint = false} : vector<128x768xbf16>, vector<768x256xbf16>, vector<128x256xf32> -> vector<128x256xf32>
    %logistic3A_456 = arith.negf %dot_general3A_447 : vector<128x256xf32>
    %logistic3A_457 = math.exp %logistic3A_456 : vector<128x256xf32>
    %logistic3A_458 = arith.constant 1.000000e+00 : f32
    %logistic3A_459 = vector.broadcast %logistic3A_458 : f32 to vector<128x256xf32>
    %logistic3A_460 = arith.addf %logistic3A_459, %logistic3A_457 : vector<128x256xf32>
    %logistic3A_461 = arith.divf %logistic3A_459, %logistic3A_460 : vector<128x256xf32>
    %mul3A_462 = arith.mulf %dot_general3A_447, %logistic3A_461 : vector<128x256xf32>
    %mul3A_463 = arith.mulf %mul3A_462, %dot_general3A_455 : vector<128x256xf32>
    %convert_element_type3A_464 = arith.truncf %mul3A_463 : vector<128x256xf32> to vector<128x256xbf16>
    %get3A_465 = arith.constant 2 : index
    %get3A_466 = arith.constant 0 : index
    %get3A_467 = arith.constant 0 : index
    %get3A_468 = vector.load %arg9[%get3A_465, %get3A_466, %get3A_467] : memref<8x256x768xf32, #tpu.memory_space<vmem>>, vector<1x256x768xf32>
    %get3A_469 = vector.shape_cast %get3A_468 : vector<1x256x768xf32> to vector<256x768xf32>
    %convert_element_type3A_470 = arith.truncf %get3A_469 : vector<256x768xf32> to vector<256x768xbf16>
    %dot_general3A_471 = arith.constant dense<0.000000e+00> : vector<128x768xf32>
    %dot_general3A_472 = tpu.matmul %convert_element_type3A_464, %convert_element_type3A_470, %dot_general3A_471 {dimension_numbers = #tpu.dot_dimension_numbers<[1], [0], [0], [1], [0, 0, 1, 1], [], []>, transpose_lhs_hint = false} : vector<128x256xbf16>, vector<256x768xbf16>, vector<128x768xf32> -> vector<128x768xf32>
    %eq3A_473 = arith.constant 2 : i32
    %eq3A_474 = vector.broadcast %eq3A_473 : i32 to vector<128x8xi32>
    %eq3A_475 = arith.cmpi eq, %iota3A, %eq3A_474 : vector<128x8xi32>
    %jit3A_476 = arith.constant 0.000000e+00 : f32
    %broadcast_in_dim3A_477 = vector.broadcast %jit3A_476 : f32 to vector<128x8xf32>
    %select_n3A_478 = arith.select %eq3A_475, %get3A_99, %broadcast_in_dim3A_477 : vector<128x8xi1>, vector<128x8xf32>
    %reduce_sum3A_479 = arith.constant dense<0.000000e+00> : vector<128xf32>
    %reduce_sum3A_480 = vector.multi_reduction <add>, %select_n3A_478, %reduce_sum3A_479 [1] : vector<128x8xf32> to vector<128xf32>
    %broadcast_in_dim3A_481 = vector.shape_cast %reduce_sum3A_480 : vector<128xf32> to vector<128x1xf32>
    %mul3A_482 = vector.broadcast %broadcast_in_dim3A_481 : vector<128x1xf32> to vector<128x768xf32>
    %mul3A_483 = arith.mulf %mul3A_482, %dot_general3A_472 : vector<128x768xf32>
    %add3A_484 = arith.addf %add3A_354, %mul3A_483 : vector<128x768xf32>
    %dma_start3A_485 = arith.constant 5 : i32
    %dma_start3A_486 = arith.constant 5 : i32
    %dma_start3A_487 = arith.constant 5 : i32
    %dma_start3A_488 = arith.constant 0 : i32
    %dma_start3A_489 = tpu.memref_slice %arg10[%dma_start3A_487, %dma_start3A_488] : memref<8x3x!tpu.dma_semaphore, #tpu.memory_space<semaphore_mem>> -> memref<1x1x!tpu.dma_semaphore, #tpu.memory_space<semaphore_mem>>
    %dma_start3A_490 = tpu.memref_squeeze %dma_start3A_489 : memref<1x1x!tpu.dma_semaphore, #tpu.memory_space<semaphore_mem>> -> memref<!tpu.dma_semaphore, #tpu.memory_space<semaphore_mem>>
    %dma_start3A_491 = arith.constant 0 : i32
    %dma_start3A_492 = arith.constant 0 : i32
    %dma_start3A_493 = tpu.memref_slice %arg7[%dma_start3A_486, %dma_start3A_491, %dma_start3A_492] : memref<8x768x256xf32, #tpu.memory_space<vmem>> -> memref<1x768x256xf32, #tpu.memory_space<vmem>>
    %dma_start3A_494 = tpu.memref_squeeze %dma_start3A_493 : memref<1x768x256xf32, #tpu.memory_space<vmem>> -> memref<768x256xf32, #tpu.memory_space<vmem>>
    %dma_start3A_495 = arith.constant 0 : i32
    %dma_start3A_496 = arith.constant 0 : i32
    %dma_start3A_497 = tpu.memref_slice %arg3[%dma_start3A_485, %dma_start3A_495, %dma_start3A_496] : memref<8x768x256xf32, #tpu.memory_space<any>> -> memref<1x768x256xf32, #tpu.memory_space<any>>
    %dma_start3A_498 = tpu.memref_squeeze %dma_start3A_497 : memref<1x768x256xf32, #tpu.memory_space<any>> -> memref<768x256xf32, #tpu.memory_space<any>>
    tpu.enqueue_dma source(%dma_start3A_498 : memref<768x256xf32, #tpu.memory_space<any>>) target(%dma_start3A_494 : memref<768x256xf32, #tpu.memory_space<vmem>>) target_semaphore(%dma_start3A_490 : memref<!tpu.dma_semaphore, #tpu.memory_space<semaphore_mem>>)
    %dma_start3A_499 = arith.constant 5 : i32
    %dma_start3A_500 = arith.constant 5 : i32
    %dma_start3A_501 = arith.constant 5 : i32
    %dma_start3A_502 = arith.constant 1 : i32
    %dma_start3A_503 = tpu.memref_slice %arg10[%dma_start3A_501, %dma_start3A_502] : memref<8x3x!tpu.dma_semaphore, #tpu.memory_space<semaphore_mem>> -> memref<1x1x!tpu.dma_semaphore, #tpu.memory_space<semaphore_mem>>
    %dma_start3A_504 = tpu.memref_squeeze %dma_start3A_503 : memref<1x1x!tpu.dma_semaphore, #tpu.memory_space<semaphore_mem>> -> memref<!tpu.dma_semaphore, #tpu.memory_space<semaphore_mem>>
    %dma_start3A_505 = arith.constant 0 : i32
    %dma_start3A_506 = arith.constant 0 : i32
    %dma_start3A_507 = tpu.memref_slice %arg8[%dma_start3A_500, %dma_start3A_505, %dma_start3A_506] : memref<8x768x256xf32, #tpu.memory_space<vmem>> -> memref<1x768x256xf32, #tpu.memory_space<vmem>>
    %dma_start3A_508 = tpu.memref_squeeze %dma_start3A_507 : memref<1x768x256xf32, #tpu.memory_space<vmem>> -> memref<768x256xf32, #tpu.memory_space<vmem>>
    %dma_start3A_509 = arith.constant 0 : i32
    %dma_start3A_510 = arith.constant 0 : i32
    %dma_start3A_511 = tpu.memref_slice %arg4[%dma_start3A_499, %dma_start3A_509, %dma_start3A_510] : memref<8x768x256xf32, #tpu.memory_space<any>> -> memref<1x768x256xf32, #tpu.memory_space<any>>
    %dma_start3A_512 = tpu.memref_squeeze %dma_start3A_511 : memref<1x768x256xf32, #tpu.memory_space<any>> -> memref<768x256xf32, #tpu.memory_space<any>>
    tpu.enqueue_dma source(%dma_start3A_512 : memref<768x256xf32, #tpu.memory_space<any>>) target(%dma_start3A_508 : memref<768x256xf32, #tpu.memory_space<vmem>>) target_semaphore(%dma_start3A_504 : memref<!tpu.dma_semaphore, #tpu.memory_space<semaphore_mem>>)
    %dma_start3A_513 = arith.constant 5 : i32
    %dma_start3A_514 = arith.constant 5 : i32
    %dma_start3A_515 = arith.constant 5 : i32
    %dma_start3A_516 = arith.constant 2 : i32
    %dma_start3A_517 = tpu.memref_slice %arg10[%dma_start3A_515, %dma_start3A_516] : memref<8x3x!tpu.dma_semaphore, #tpu.memory_space<semaphore_mem>> -> memref<1x1x!tpu.dma_semaphore, #tpu.memory_space<semaphore_mem>>
    %dma_start3A_518 = tpu.memref_squeeze %dma_start3A_517 : memref<1x1x!tpu.dma_semaphore, #tpu.memory_space<semaphore_mem>> -> memref<!tpu.dma_semaphore, #tpu.memory_space<semaphore_mem>>
    %dma_start3A_519 = arith.constant 0 : i32
    %dma_start3A_520 = arith.constant 0 : i32
    %dma_start3A_521 = tpu.memref_slice %arg9[%dma_start3A_514, %dma_start3A_519, %dma_start3A_520] : memref<8x256x768xf32, #tpu.memory_space<vmem>> -> memref<1x256x768xf32, #tpu.memory_space<vmem>>
    %dma_start3A_522 = tpu.memref_squeeze %dma_start3A_521 : memref<1x256x768xf32, #tpu.memory_space<vmem>> -> memref<256x768xf32, #tpu.memory_space<vmem>>
    %dma_start3A_523 = arith.constant 0 : i32
    %dma_start3A_524 = arith.constant 0 : i32
    %dma_start3A_525 = tpu.memref_slice %arg5[%dma_start3A_513, %dma_start3A_523, %dma_start3A_524] : memref<8x256x768xf32, #tpu.memory_space<any>> -> memref<1x256x768xf32, #tpu.memory_space<any>>
    %dma_start3A_526 = tpu.memref_squeeze %dma_start3A_525 : memref<1x256x768xf32, #tpu.memory_space<any>> -> memref<256x768xf32, #tpu.memory_space<any>>
    tpu.enqueue_dma source(%dma_start3A_526 : memref<256x768xf32, #tpu.memory_space<any>>) target(%dma_start3A_522 : memref<256x768xf32, #tpu.memory_space<vmem>>) target_semaphore(%dma_start3A_518 : memref<!tpu.dma_semaphore, #tpu.memory_space<semaphore_mem>>)
    %dma_wait3A_527 = arith.constant 3 : i32
    %dma_wait3A_528 = arith.constant 3 : i32
    %dma_wait3A_529 = arith.constant 3 : i32
    %dma_wait3A_530 = arith.constant 0 : i32
    %dma_wait3A_531 = tpu.memref_slice %arg10[%dma_wait3A_529, %dma_wait3A_530] : memref<8x3x!tpu.dma_semaphore, #tpu.memory_space<semaphore_mem>> -> memref<1x1x!tpu.dma_semaphore, #tpu.memory_space<semaphore_mem>>
    %dma_wait3A_532 = tpu.memref_squeeze %dma_wait3A_531 : memref<1x1x!tpu.dma_semaphore, #tpu.memory_space<semaphore_mem>> -> memref<!tpu.dma_semaphore, #tpu.memory_space<semaphore_mem>>
    %dma_wait3A_533 = arith.constant 0 : i32
    %dma_wait3A_534 = arith.constant 0 : i32
    %dma_wait3A_535 = tpu.memref_slice %arg7[%dma_wait3A_528, %dma_wait3A_533, %dma_wait3A_534] : memref<8x768x256xf32, #tpu.memory_space<vmem>> -> memref<1x768x256xf32, #tpu.memory_space<vmem>>
    %dma_wait3A_536 = tpu.memref_squeeze %dma_wait3A_535 : memref<1x768x256xf32, #tpu.memory_space<vmem>> -> memref<768x256xf32, #tpu.memory_space<vmem>>
    %dma_wait3A_537 = arith.constant 0 : i32
    %dma_wait3A_538 = arith.constant 0 : i32
    %dma_wait3A_539 = tpu.memref_slice %arg3[%dma_wait3A_527, %dma_wait3A_537, %dma_wait3A_538] : memref<8x768x256xf32, #tpu.memory_space<any>> -> memref<1x768x256xf32, #tpu.memory_space<any>>
    %dma_wait3A_540 = tpu.memref_squeeze %dma_wait3A_539 : memref<1x768x256xf32, #tpu.memory_space<any>> -> memref<768x256xf32, #tpu.memory_space<any>>
    tpu.wait_dma2 semaphore(%dma_wait3A_532 : memref<!tpu.dma_semaphore, #tpu.memory_space<semaphore_mem>>) src(%dma_wait3A_540 : memref<768x256xf32, #tpu.memory_space<any>>) dst(%dma_wait3A_536 : memref<768x256xf32, #tpu.memory_space<vmem>>)
    %dma_wait3A_541 = arith.constant 3 : i32
    %dma_wait3A_542 = arith.constant 3 : i32
    %dma_wait3A_543 = arith.constant 3 : i32
    %dma_wait3A_544 = arith.constant 1 : i32
    %dma_wait3A_545 = tpu.memref_slice %arg10[%dma_wait3A_543, %dma_wait3A_544] : memref<8x3x!tpu.dma_semaphore, #tpu.memory_space<semaphore_mem>> -> memref<1x1x!tpu.dma_semaphore, #tpu.memory_space<semaphore_mem>>
    %dma_wait3A_546 = tpu.memref_squeeze %dma_wait3A_545 : memref<1x1x!tpu.dma_semaphore, #tpu.memory_space<semaphore_mem>> -> memref<!tpu.dma_semaphore, #tpu.memory_space<semaphore_mem>>
    %dma_wait3A_547 = arith.constant 0 : i32
    %dma_wait3A_548 = arith.constant 0 : i32
    %dma_wait3A_549 = tpu.memref_slice %arg8[%dma_wait3A_542, %dma_wait3A_547, %dma_wait3A_548] : memref<8x768x256xf32, #tpu.memory_space<vmem>> -> memref<1x768x256xf32, #tpu.memory_space<vmem>>
    %dma_wait3A_550 = tpu.memref_squeeze %dma_wait3A_549 : memref<1x768x256xf32, #tpu.memory_space<vmem>> -> memref<768x256xf32, #tpu.memory_space<vmem>>
    %dma_wait3A_551 = arith.constant 0 : i32
    %dma_wait3A_552 = arith.constant 0 : i32
    %dma_wait3A_553 = tpu.memref_slice %arg4[%dma_wait3A_541, %dma_wait3A_551, %dma_wait3A_552] : memref<8x768x256xf32, #tpu.memory_space<any>> -> memref<1x768x256xf32, #tpu.memory_space<any>>
    %dma_wait3A_554 = tpu.memref_squeeze %dma_wait3A_553 : memref<1x768x256xf32, #tpu.memory_space<any>> -> memref<768x256xf32, #tpu.memory_space<any>>
    tpu.wait_dma2 semaphore(%dma_wait3A_546 : memref<!tpu.dma_semaphore, #tpu.memory_space<semaphore_mem>>) src(%dma_wait3A_554 : memref<768x256xf32, #tpu.memory_space<any>>) dst(%dma_wait3A_550 : memref<768x256xf32, #tpu.memory_space<vmem>>)
    %dma_wait3A_555 = arith.constant 3 : i32
    %dma_wait3A_556 = arith.constant 3 : i32
    %dma_wait3A_557 = arith.constant 3 : i32
    %dma_wait3A_558 = arith.constant 2 : i32
    %dma_wait3A_559 = tpu.memref_slice %arg10[%dma_wait3A_557, %dma_wait3A_558] : memref<8x3x!tpu.dma_semaphore, #tpu.memory_space<semaphore_mem>> -> memref<1x1x!tpu.dma_semaphore, #tpu.memory_space<semaphore_mem>>
    %dma_wait3A_560 = tpu.memref_squeeze %dma_wait3A_559 : memref<1x1x!tpu.dma_semaphore, #tpu.memory_space<semaphore_mem>> -> memref<!tpu.dma_semaphore, #tpu.memory_space<semaphore_mem>>
    %dma_wait3A_561 = arith.constant 0 : i32
    %dma_wait3A_562 = arith.constant 0 : i32
    %dma_wait3A_563 = tpu.memref_slice %arg9[%dma_wait3A_556, %dma_wait3A_561, %dma_wait3A_562] : memref<8x256x768xf32, #tpu.memory_space<vmem>> -> memref<1x256x768xf32, #tpu.memory_space<vmem>>
    %dma_wait3A_564 = tpu.memref_squeeze %dma_wait3A_563 : memref<1x256x768xf32, #tpu.memory_space<vmem>> -> memref<256x768xf32, #tpu.memory_space<vmem>>
    %dma_wait3A_565 = arith.constant 0 : i32
    %dma_wait3A_566 = arith.constant 0 : i32
    %dma_wait3A_567 = tpu.memref_slice %arg5[%dma_wait3A_555, %dma_wait3A_565, %dma_wait3A_566] : memref<8x256x768xf32, #tpu.memory_space<any>> -> memref<1x256x768xf32, #tpu.memory_space<any>>
    %dma_wait3A_568 = tpu.memref_squeeze %dma_wait3A_567 : memref<1x256x768xf32, #tpu.memory_space<any>> -> memref<256x768xf32, #tpu.memory_space<any>>
    tpu.wait_dma2 semaphore(%dma_wait3A_560 : memref<!tpu.dma_semaphore, #tpu.memory_space<semaphore_mem>>) src(%dma_wait3A_568 : memref<256x768xf32, #tpu.memory_space<any>>) dst(%dma_wait3A_564 : memref<256x768xf32, #tpu.memory_space<vmem>>)
    %convert_element_type3A_569 = arith.truncf %mul3A_96 : vector<128x768xf32> to vector<128x768xbf16>
    %get3A_570 = arith.constant 3 : index
    %get3A_571 = arith.constant 0 : index
    %get3A_572 = arith.constant 0 : index
    %get3A_573 = vector.load %arg7[%get3A_570, %get3A_571, %get3A_572] : memref<8x768x256xf32, #tpu.memory_space<vmem>>, vector<1x768x256xf32>
    %get3A_574 = vector.shape_cast %get3A_573 : vector<1x768x256xf32> to vector<768x256xf32>
    %convert_element_type3A_575 = arith.truncf %get3A_574 : vector<768x256xf32> to vector<768x256xbf16>
    %dot_general3A_576 = arith.constant dense<0.000000e+00> : vector<128x256xf32>
    %dot_general3A_577 = tpu.matmul %convert_element_type3A_569, %convert_element_type3A_575, %dot_general3A_576 {dimension_numbers = #tpu.dot_dimension_numbers<[1], [0], [0], [1], [0, 0, 1, 1], [], []>, transpose_lhs_hint = false} : vector<128x768xbf16>, vector<768x256xbf16>, vector<128x256xf32> -> vector<128x256xf32>
    %get3A_578 = arith.constant 3 : index
    %get3A_579 = arith.constant 0 : index
    %get3A_580 = arith.constant 0 : index
    %get3A_581 = vector.load %arg8[%get3A_578, %get3A_579, %get3A_580] : memref<8x768x256xf32, #tpu.memory_space<vmem>>, vector<1x768x256xf32>
    %get3A_582 = vector.shape_cast %get3A_581 : vector<1x768x256xf32> to vector<768x256xf32>
    %convert_element_type3A_583 = arith.truncf %get3A_582 : vector<768x256xf32> to vector<768x256xbf16>
    %dot_general3A_584 = arith.constant dense<0.000000e+00> : vector<128x256xf32>
    %dot_general3A_585 = tpu.matmul %convert_element_type3A_569, %convert_element_type3A_583, %dot_general3A_584 {dimension_numbers = #tpu.dot_dimension_numbers<[1], [0], [0], [1], [0, 0, 1, 1], [], []>, transpose_lhs_hint = false} : vector<128x768xbf16>, vector<768x256xbf16>, vector<128x256xf32> -> vector<128x256xf32>
    %logistic3A_586 = arith.negf %dot_general3A_577 : vector<128x256xf32>
    %logistic3A_587 = math.exp %logistic3A_586 : vector<128x256xf32>
    %logistic3A_588 = arith.constant 1.000000e+00 : f32
    %logistic3A_589 = vector.broadcast %logistic3A_588 : f32 to vector<128x256xf32>
    %logistic3A_590 = arith.addf %logistic3A_589, %logistic3A_587 : vector<128x256xf32>
    %logistic3A_591 = arith.divf %logistic3A_589, %logistic3A_590 : vector<128x256xf32>
    %mul3A_592 = arith.mulf %dot_general3A_577, %logistic3A_591 : vector<128x256xf32>
    %mul3A_593 = arith.mulf %mul3A_592, %dot_general3A_585 : vector<128x256xf32>
    %convert_element_type3A_594 = arith.truncf %mul3A_593 : vector<128x256xf32> to vector<128x256xbf16>
    %get3A_595 = arith.constant 3 : index
    %get3A_596 = arith.constant 0 : index
    %get3A_597 = arith.constant 0 : index
    %get3A_598 = vector.load %arg9[%get3A_595, %get3A_596, %get3A_597] : memref<8x256x768xf32, #tpu.memory_space<vmem>>, vector<1x256x768xf32>
    %get3A_599 = vector.shape_cast %get3A_598 : vector<1x256x768xf32> to vector<256x768xf32>
    %convert_element_type3A_600 = arith.truncf %get3A_599 : vector<256x768xf32> to vector<256x768xbf16>
    %dot_general3A_601 = arith.constant dense<0.000000e+00> : vector<128x768xf32>
    %dot_general3A_602 = tpu.matmul %convert_element_type3A_594, %convert_element_type3A_600, %dot_general3A_601 {dimension_numbers = #tpu.dot_dimension_numbers<[1], [0], [0], [1], [0, 0, 1, 1], [], []>, transpose_lhs_hint = false} : vector<128x256xbf16>, vector<256x768xbf16>, vector<128x768xf32> -> vector<128x768xf32>
    %eq3A_603 = arith.constant 3 : i32
    %eq3A_604 = vector.broadcast %eq3A_603 : i32 to vector<128x8xi32>
    %eq3A_605 = arith.cmpi eq, %iota3A, %eq3A_604 : vector<128x8xi32>
    %jit3A_606 = arith.constant 0.000000e+00 : f32
    %broadcast_in_dim3A_607 = vector.broadcast %jit3A_606 : f32 to vector<128x8xf32>
    %select_n3A_608 = arith.select %eq3A_605, %get3A_99, %broadcast_in_dim3A_607 : vector<128x8xi1>, vector<128x8xf32>
    %reduce_sum3A_609 = arith.constant dense<0.000000e+00> : vector<128xf32>
    %reduce_sum3A_610 = vector.multi_reduction <add>, %select_n3A_608, %reduce_sum3A_609 [1] : vector<128x8xf32> to vector<128xf32>
    %broadcast_in_dim3A_611 = vector.shape_cast %reduce_sum3A_610 : vector<128xf32> to vector<128x1xf32>
    %mul3A_612 = vector.broadcast %broadcast_in_dim3A_611 : vector<128x1xf32> to vector<128x768xf32>
    %mul3A_613 = arith.mulf %mul3A_612, %dot_general3A_602 : vector<128x768xf32>
    %add3A_614 = arith.addf %add3A_484, %mul3A_613 : vector<128x768xf32>
    %dma_start3A_615 = arith.constant 6 : i32
    %dma_start3A_616 = arith.constant 6 : i32
    %dma_start3A_617 = arith.constant 6 : i32
    %dma_start3A_618 = arith.constant 0 : i32
    %dma_start3A_619 = tpu.memref_slice %arg10[%dma_start3A_617, %dma_start3A_618] : memref<8x3x!tpu.dma_semaphore, #tpu.memory_space<semaphore_mem>> -> memref<1x1x!tpu.dma_semaphore, #tpu.memory_space<semaphore_mem>>
    %dma_start3A_620 = tpu.memref_squeeze %dma_start3A_619 : memref<1x1x!tpu.dma_semaphore, #tpu.memory_space<semaphore_mem>> -> memref<!tpu.dma_semaphore, #tpu.memory_space<semaphore_mem>>
    %dma_start3A_621 = arith.constant 0 : i32
    %dma_start3A_622 = arith.constant 0 : i32
    %dma_start3A_623 = tpu.memref_slice %arg7[%dma_start3A_616, %dma_start3A_621, %dma_start3A_622] : memref<8x768x256xf32, #tpu.memory_space<vmem>> -> memref<1x768x256xf32, #tpu.memory_space<vmem>>
    %dma_start3A_624 = tpu.memref_squeeze %dma_start3A_623 : memref<1x768x256xf32, #tpu.memory_space<vmem>> -> memref<768x256xf32, #tpu.memory_space<vmem>>
    %dma_start3A_625 = arith.constant 0 : i32
    %dma_start3A_626 = arith.constant 0 : i32
    %dma_start3A_627 = tpu.memref_slice %arg3[%dma_start3A_615, %dma_start3A_625, %dma_start3A_626] : memref<8x768x256xf32, #tpu.memory_space<any>> -> memref<1x768x256xf32, #tpu.memory_space<any>>
    %dma_start3A_628 = tpu.memref_squeeze %dma_start3A_627 : memref<1x768x256xf32, #tpu.memory_space<any>> -> memref<768x256xf32, #tpu.memory_space<any>>
    tpu.enqueue_dma source(%dma_start3A_628 : memref<768x256xf32, #tpu.memory_space<any>>) target(%dma_start3A_624 : memref<768x256xf32, #tpu.memory_space<vmem>>) target_semaphore(%dma_start3A_620 : memref<!tpu.dma_semaphore, #tpu.memory_space<semaphore_mem>>)
    %dma_start3A_629 = arith.constant 6 : i32
    %dma_start3A_630 = arith.constant 6 : i32
    %dma_start3A_631 = arith.constant 6 : i32
    %dma_start3A_632 = arith.constant 1 : i32
    %dma_start3A_633 = tpu.memref_slice %arg10[%dma_start3A_631, %dma_start3A_632] : memref<8x3x!tpu.dma_semaphore, #tpu.memory_space<semaphore_mem>> -> memref<1x1x!tpu.dma_semaphore, #tpu.memory_space<semaphore_mem>>
    %dma_start3A_634 = tpu.memref_squeeze %dma_start3A_633 : memref<1x1x!tpu.dma_semaphore, #tpu.memory_space<semaphore_mem>> -> memref<!tpu.dma_semaphore, #tpu.memory_space<semaphore_mem>>
    %dma_start3A_635 = arith.constant 0 : i32
    %dma_start3A_636 = arith.constant 0 : i32
    %dma_start3A_637 = tpu.memref_slice %arg8[%dma_start3A_630, %dma_start3A_635, %dma_start3A_636] : memref<8x768x256xf32, #tpu.memory_space<vmem>> -> memref<1x768x256xf32, #tpu.memory_space<vmem>>
    %dma_start3A_638 = tpu.memref_squeeze %dma_start3A_637 : memref<1x768x256xf32, #tpu.memory_space<vmem>> -> memref<768x256xf32, #tpu.memory_space<vmem>>
    %dma_start3A_639 = arith.constant 0 : i32
    %dma_start3A_640 = arith.constant 0 : i32
    %dma_start3A_641 = tpu.memref_slice %arg4[%dma_start3A_629, %dma_start3A_639, %dma_start3A_640] : memref<8x768x256xf32, #tpu.memory_space<any>> -> memref<1x768x256xf32, #tpu.memory_space<any>>
    %dma_start3A_642 = tpu.memref_squeeze %dma_start3A_641 : memref<1x768x256xf32, #tpu.memory_space<any>> -> memref<768x256xf32, #tpu.memory_space<any>>
    tpu.enqueue_dma source(%dma_start3A_642 : memref<768x256xf32, #tpu.memory_space<any>>) target(%dma_start3A_638 : memref<768x256xf32, #tpu.memory_space<vmem>>) target_semaphore(%dma_start3A_634 : memref<!tpu.dma_semaphore, #tpu.memory_space<semaphore_mem>>)
    %dma_start3A_643 = arith.constant 6 : i32
    %dma_start3A_644 = arith.constant 6 : i32
    %dma_start3A_645 = arith.constant 6 : i32
    %dma_start3A_646 = arith.constant 2 : i32
    %dma_start3A_647 = tpu.memref_slice %arg10[%dma_start3A_645, %dma_start3A_646] : memref<8x3x!tpu.dma_semaphore, #tpu.memory_space<semaphore_mem>> -> memref<1x1x!tpu.dma_semaphore, #tpu.memory_space<semaphore_mem>>
    %dma_start3A_648 = tpu.memref_squeeze %dma_start3A_647 : memref<1x1x!tpu.dma_semaphore, #tpu.memory_space<semaphore_mem>> -> memref<!tpu.dma_semaphore, #tpu.memory_space<semaphore_mem>>
    %dma_start3A_649 = arith.constant 0 : i32
    %dma_start3A_650 = arith.constant 0 : i32
    %dma_start3A_651 = tpu.memref_slice %arg9[%dma_start3A_644, %dma_start3A_649, %dma_start3A_650] : memref<8x256x768xf32, #tpu.memory_space<vmem>> -> memref<1x256x768xf32, #tpu.memory_space<vmem>>
    %dma_start3A_652 = tpu.memref_squeeze %dma_start3A_651 : memref<1x256x768xf32, #tpu.memory_space<vmem>> -> memref<256x768xf32, #tpu.memory_space<vmem>>
    %dma_start3A_653 = arith.constant 0 : i32
    %dma_start3A_654 = arith.constant 0 : i32
    %dma_start3A_655 = tpu.memref_slice %arg5[%dma_start3A_643, %dma_start3A_653, %dma_start3A_654] : memref<8x256x768xf32, #tpu.memory_space<any>> -> memref<1x256x768xf32, #tpu.memory_space<any>>
    %dma_start3A_656 = tpu.memref_squeeze %dma_start3A_655 : memref<1x256x768xf32, #tpu.memory_space<any>> -> memref<256x768xf32, #tpu.memory_space<any>>
    tpu.enqueue_dma source(%dma_start3A_656 : memref<256x768xf32, #tpu.memory_space<any>>) target(%dma_start3A_652 : memref<256x768xf32, #tpu.memory_space<vmem>>) target_semaphore(%dma_start3A_648 : memref<!tpu.dma_semaphore, #tpu.memory_space<semaphore_mem>>)
    %dma_wait3A_657 = arith.constant 4 : i32
    %dma_wait3A_658 = arith.constant 4 : i32
    %dma_wait3A_659 = arith.constant 4 : i32
    %dma_wait3A_660 = arith.constant 0 : i32
    %dma_wait3A_661 = tpu.memref_slice %arg10[%dma_wait3A_659, %dma_wait3A_660] : memref<8x3x!tpu.dma_semaphore, #tpu.memory_space<semaphore_mem>> -> memref<1x1x!tpu.dma_semaphore, #tpu.memory_space<semaphore_mem>>
    %dma_wait3A_662 = tpu.memref_squeeze %dma_wait3A_661 : memref<1x1x!tpu.dma_semaphore, #tpu.memory_space<semaphore_mem>> -> memref<!tpu.dma_semaphore, #tpu.memory_space<semaphore_mem>>
    %dma_wait3A_663 = arith.constant 0 : i32
    %dma_wait3A_664 = arith.constant 0 : i32
    %dma_wait3A_665 = tpu.memref_slice %arg7[%dma_wait3A_658, %dma_wait3A_663, %dma_wait3A_664] : memref<8x768x256xf32, #tpu.memory_space<vmem>> -> memref<1x768x256xf32, #tpu.memory_space<vmem>>
    %dma_wait3A_666 = tpu.memref_squeeze %dma_wait3A_665 : memref<1x768x256xf32, #tpu.memory_space<vmem>> -> memref<768x256xf32, #tpu.memory_space<vmem>>
    %dma_wait3A_667 = arith.constant 0 : i32
    %dma_wait3A_668 = arith.constant 0 : i32
    %dma_wait3A_669 = tpu.memref_slice %arg3[%dma_wait3A_657, %dma_wait3A_667, %dma_wait3A_668] : memref<8x768x256xf32, #tpu.memory_space<any>> -> memref<1x768x256xf32, #tpu.memory_space<any>>
    %dma_wait3A_670 = tpu.memref_squeeze %dma_wait3A_669 : memref<1x768x256xf32, #tpu.memory_space<any>> -> memref<768x256xf32, #tpu.memory_space<any>>
    tpu.wait_dma2 semaphore(%dma_wait3A_662 : memref<!tpu.dma_semaphore, #tpu.memory_space<semaphore_mem>>) src(%dma_wait3A_670 : memref<768x256xf32, #tpu.memory_space<any>>) dst(%dma_wait3A_666 : memref<768x256xf32, #tpu.memory_space<vmem>>)
    %dma_wait3A_671 = arith.constant 4 : i32
    %dma_wait3A_672 = arith.constant 4 : i32
    %dma_wait3A_673 = arith.constant 4 : i32
    %dma_wait3A_674 = arith.constant 1 : i32
    %dma_wait3A_675 = tpu.memref_slice %arg10[%dma_wait3A_673, %dma_wait3A_674] : memref<8x3x!tpu.dma_semaphore, #tpu.memory_space<semaphore_mem>> -> memref<1x1x!tpu.dma_semaphore, #tpu.memory_space<semaphore_mem>>
    %dma_wait3A_676 = tpu.memref_squeeze %dma_wait3A_675 : memref<1x1x!tpu.dma_semaphore, #tpu.memory_space<semaphore_mem>> -> memref<!tpu.dma_semaphore, #tpu.memory_space<semaphore_mem>>
    %dma_wait3A_677 = arith.constant 0 : i32
    %dma_wait3A_678 = arith.constant 0 : i32
    %dma_wait3A_679 = tpu.memref_slice %arg8[%dma_wait3A_672, %dma_wait3A_677, %dma_wait3A_678] : memref<8x768x256xf32, #tpu.memory_space<vmem>> -> memref<1x768x256xf32, #tpu.memory_space<vmem>>
    %dma_wait3A_680 = tpu.memref_squeeze %dma_wait3A_679 : memref<1x768x256xf32, #tpu.memory_space<vmem>> -> memref<768x256xf32, #tpu.memory_space<vmem>>
    %dma_wait3A_681 = arith.constant 0 : i32
    %dma_wait3A_682 = arith.constant 0 : i32
    %dma_wait3A_683 = tpu.memref_slice %arg4[%dma_wait3A_671, %dma_wait3A_681, %dma_wait3A_682] : memref<8x768x256xf32, #tpu.memory_space<any>> -> memref<1x768x256xf32, #tpu.memory_space<any>>
    %dma_wait3A_684 = tpu.memref_squeeze %dma_wait3A_683 : memref<1x768x256xf32, #tpu.memory_space<any>> -> memref<768x256xf32, #tpu.memory_space<any>>
    tpu.wait_dma2 semaphore(%dma_wait3A_676 : memref<!tpu.dma_semaphore, #tpu.memory_space<semaphore_mem>>) src(%dma_wait3A_684 : memref<768x256xf32, #tpu.memory_space<any>>) dst(%dma_wait3A_680 : memref<768x256xf32, #tpu.memory_space<vmem>>)
    %dma_wait3A_685 = arith.constant 4 : i32
    %dma_wait3A_686 = arith.constant 4 : i32
    %dma_wait3A_687 = arith.constant 4 : i32
    %dma_wait3A_688 = arith.constant 2 : i32
    %dma_wait3A_689 = tpu.memref_slice %arg10[%dma_wait3A_687, %dma_wait3A_688] : memref<8x3x!tpu.dma_semaphore, #tpu.memory_space<semaphore_mem>> -> memref<1x1x!tpu.dma_semaphore, #tpu.memory_space<semaphore_mem>>
    %dma_wait3A_690 = tpu.memref_squeeze %dma_wait3A_689 : memref<1x1x!tpu.dma_semaphore, #tpu.memory_space<semaphore_mem>> -> memref<!tpu.dma_semaphore, #tpu.memory_space<semaphore_mem>>
    %dma_wait3A_691 = arith.constant 0 : i32
    %dma_wait3A_692 = arith.constant 0 : i32
    %dma_wait3A_693 = tpu.memref_slice %arg9[%dma_wait3A_686, %dma_wait3A_691, %dma_wait3A_692] : memref<8x256x768xf32, #tpu.memory_space<vmem>> -> memref<1x256x768xf32, #tpu.memory_space<vmem>>
    %dma_wait3A_694 = tpu.memref_squeeze %dma_wait3A_693 : memref<1x256x768xf32, #tpu.memory_space<vmem>> -> memref<256x768xf32, #tpu.memory_space<vmem>>
    %dma_wait3A_695 = arith.constant 0 : i32
    %dma_wait3A_696 = arith.constant 0 : i32
    %dma_wait3A_697 = tpu.memref_slice %arg5[%dma_wait3A_685, %dma_wait3A_695, %dma_wait3A_696] : memref<8x256x768xf32, #tpu.memory_space<any>> -> memref<1x256x768xf32, #tpu.memory_space<any>>
    %dma_wait3A_698 = tpu.memref_squeeze %dma_wait3A_697 : memref<1x256x768xf32, #tpu.memory_space<any>> -> memref<256x768xf32, #tpu.memory_space<any>>
    tpu.wait_dma2 semaphore(%dma_wait3A_690 : memref<!tpu.dma_semaphore, #tpu.memory_space<semaphore_mem>>) src(%dma_wait3A_698 : memref<256x768xf32, #tpu.memory_space<any>>) dst(%dma_wait3A_694 : memref<256x768xf32, #tpu.memory_space<vmem>>)
    %convert_element_type3A_699 = arith.truncf %mul3A_96 : vector<128x768xf32> to vector<128x768xbf16>
    %get3A_700 = arith.constant 4 : index
    %get3A_701 = arith.constant 0 : index
    %get3A_702 = arith.constant 0 : index
    %get3A_703 = vector.load %arg7[%get3A_700, %get3A_701, %get3A_702] : memref<8x768x256xf32, #tpu.memory_space<vmem>>, vector<1x768x256xf32>
    %get3A_704 = vector.shape_cast %get3A_703 : vector<1x768x256xf32> to vector<768x256xf32>
    %convert_element_type3A_705 = arith.truncf %get3A_704 : vector<768x256xf32> to vector<768x256xbf16>
    %dot_general3A_706 = arith.constant dense<0.000000e+00> : vector<128x256xf32>
    %dot_general3A_707 = tpu.matmul %convert_element_type3A_699, %convert_element_type3A_705, %dot_general3A_706 {dimension_numbers = #tpu.dot_dimension_numbers<[1], [0], [0], [1], [0, 0, 1, 1], [], []>, transpose_lhs_hint = false} : vector<128x768xbf16>, vector<768x256xbf16>, vector<128x256xf32> -> vector<128x256xf32>
    %get3A_708 = arith.constant 4 : index
    %get3A_709 = arith.constant 0 : index
    %get3A_710 = arith.constant 0 : index
    %get3A_711 = vector.load %arg8[%get3A_708, %get3A_709, %get3A_710] : memref<8x768x256xf32, #tpu.memory_space<vmem>>, vector<1x768x256xf32>
    %get3A_712 = vector.shape_cast %get3A_711 : vector<1x768x256xf32> to vector<768x256xf32>
    %convert_element_type3A_713 = arith.truncf %get3A_712 : vector<768x256xf32> to vector<768x256xbf16>
    %dot_general3A_714 = arith.constant dense<0.000000e+00> : vector<128x256xf32>
    %dot_general3A_715 = tpu.matmul %convert_element_type3A_699, %convert_element_type3A_713, %dot_general3A_714 {dimension_numbers = #tpu.dot_dimension_numbers<[1], [0], [0], [1], [0, 0, 1, 1], [], []>, transpose_lhs_hint = false} : vector<128x768xbf16>, vector<768x256xbf16>, vector<128x256xf32> -> vector<128x256xf32>
    %logistic3A_716 = arith.negf %dot_general3A_707 : vector<128x256xf32>
    %logistic3A_717 = math.exp %logistic3A_716 : vector<128x256xf32>
    %logistic3A_718 = arith.constant 1.000000e+00 : f32
    %logistic3A_719 = vector.broadcast %logistic3A_718 : f32 to vector<128x256xf32>
    %logistic3A_720 = arith.addf %logistic3A_719, %logistic3A_717 : vector<128x256xf32>
    %logistic3A_721 = arith.divf %logistic3A_719, %logistic3A_720 : vector<128x256xf32>
    %mul3A_722 = arith.mulf %dot_general3A_707, %logistic3A_721 : vector<128x256xf32>
    %mul3A_723 = arith.mulf %mul3A_722, %dot_general3A_715 : vector<128x256xf32>
    %convert_element_type3A_724 = arith.truncf %mul3A_723 : vector<128x256xf32> to vector<128x256xbf16>
    %get3A_725 = arith.constant 4 : index
    %get3A_726 = arith.constant 0 : index
    %get3A_727 = arith.constant 0 : index
    %get3A_728 = vector.load %arg9[%get3A_725, %get3A_726, %get3A_727] : memref<8x256x768xf32, #tpu.memory_space<vmem>>, vector<1x256x768xf32>
    %get3A_729 = vector.shape_cast %get3A_728 : vector<1x256x768xf32> to vector<256x768xf32>
    %convert_element_type3A_730 = arith.truncf %get3A_729 : vector<256x768xf32> to vector<256x768xbf16>
    %dot_general3A_731 = arith.constant dense<0.000000e+00> : vector<128x768xf32>
    %dot_general3A_732 = tpu.matmul %convert_element_type3A_724, %convert_element_type3A_730, %dot_general3A_731 {dimension_numbers = #tpu.dot_dimension_numbers<[1], [0], [0], [1], [0, 0, 1, 1], [], []>, transpose_lhs_hint = false} : vector<128x256xbf16>, vector<256x768xbf16>, vector<128x768xf32> -> vector<128x768xf32>
    %eq3A_733 = arith.constant 4 : i32
    %eq3A_734 = vector.broadcast %eq3A_733 : i32 to vector<128x8xi32>
    %eq3A_735 = arith.cmpi eq, %iota3A, %eq3A_734 : vector<128x8xi32>
    %jit3A_736 = arith.constant 0.000000e+00 : f32
    %broadcast_in_dim3A_737 = vector.broadcast %jit3A_736 : f32 to vector<128x8xf32>
    %select_n3A_738 = arith.select %eq3A_735, %get3A_99, %broadcast_in_dim3A_737 : vector<128x8xi1>, vector<128x8xf32>
    %reduce_sum3A_739 = arith.constant dense<0.000000e+00> : vector<128xf32>
    %reduce_sum3A_740 = vector.multi_reduction <add>, %select_n3A_738, %reduce_sum3A_739 [1] : vector<128x8xf32> to vector<128xf32>
    %broadcast_in_dim3A_741 = vector.shape_cast %reduce_sum3A_740 : vector<128xf32> to vector<128x1xf32>
    %mul3A_742 = vector.broadcast %broadcast_in_dim3A_741 : vector<128x1xf32> to vector<128x768xf32>
    %mul3A_743 = arith.mulf %mul3A_742, %dot_general3A_732 : vector<128x768xf32>
    %add3A_744 = arith.addf %add3A_614, %mul3A_743 : vector<128x768xf32>
    %dma_start3A_745 = arith.constant 7 : i32
    %dma_start3A_746 = arith.constant 7 : i32
    %dma_start3A_747 = arith.constant 7 : i32
    %dma_start3A_748 = arith.constant 0 : i32
    %dma_start3A_749 = tpu.memref_slice %arg10[%dma_start3A_747, %dma_start3A_748] : memref<8x3x!tpu.dma_semaphore, #tpu.memory_space<semaphore_mem>> -> memref<1x1x!tpu.dma_semaphore, #tpu.memory_space<semaphore_mem>>
    %dma_start3A_750 = tpu.memref_squeeze %dma_start3A_749 : memref<1x1x!tpu.dma_semaphore, #tpu.memory_space<semaphore_mem>> -> memref<!tpu.dma_semaphore, #tpu.memory_space<semaphore_mem>>
    %dma_start3A_751 = arith.constant 0 : i32
    %dma_start3A_752 = arith.constant 0 : i32
    %dma_start3A_753 = tpu.memref_slice %arg7[%dma_start3A_746, %dma_start3A_751, %dma_start3A_752] : memref<8x768x256xf32, #tpu.memory_space<vmem>> -> memref<1x768x256xf32, #tpu.memory_space<vmem>>
    %dma_start3A_754 = tpu.memref_squeeze %dma_start3A_753 : memref<1x768x256xf32, #tpu.memory_space<vmem>> -> memref<768x256xf32, #tpu.memory_space<vmem>>
    %dma_start3A_755 = arith.constant 0 : i32
    %dma_start3A_756 = arith.constant 0 : i32
    %dma_start3A_757 = tpu.memref_slice %arg3[%dma_start3A_745, %dma_start3A_755, %dma_start3A_756] : memref<8x768x256xf32, #tpu.memory_space<any>> -> memref<1x768x256xf32, #tpu.memory_space<any>>
    %dma_start3A_758 = tpu.memref_squeeze %dma_start3A_757 : memref<1x768x256xf32, #tpu.memory_space<any>> -> memref<768x256xf32, #tpu.memory_space<any>>
    tpu.enqueue_dma source(%dma_start3A_758 : memref<768x256xf32, #tpu.memory_space<any>>) target(%dma_start3A_754 : memref<768x256xf32, #tpu.memory_space<vmem>>) target_semaphore(%dma_start3A_750 : memref<!tpu.dma_semaphore, #tpu.memory_space<semaphore_mem>>)
    %dma_start3A_759 = arith.constant 7 : i32
    %dma_start3A_760 = arith.constant 7 : i32
    %dma_start3A_761 = arith.constant 7 : i32
    %dma_start3A_762 = arith.constant 1 : i32
    %dma_start3A_763 = tpu.memref_slice %arg10[%dma_start3A_761, %dma_start3A_762] : memref<8x3x!tpu.dma_semaphore, #tpu.memory_space<semaphore_mem>> -> memref<1x1x!tpu.dma_semaphore, #tpu.memory_space<semaphore_mem>>
    %dma_start3A_764 = tpu.memref_squeeze %dma_start3A_763 : memref<1x1x!tpu.dma_semaphore, #tpu.memory_space<semaphore_mem>> -> memref<!tpu.dma_semaphore, #tpu.memory_space<semaphore_mem>>
    %dma_start3A_765 = arith.constant 0 : i32
    %dma_start3A_766 = arith.constant 0 : i32
    %dma_start3A_767 = tpu.memref_slice %arg8[%dma_start3A_760, %dma_start3A_765, %dma_start3A_766] : memref<8x768x256xf32, #tpu.memory_space<vmem>> -> memref<1x768x256xf32, #tpu.memory_space<vmem>>
    %dma_start3A_768 = tpu.memref_squeeze %dma_start3A_767 : memref<1x768x256xf32, #tpu.memory_space<vmem>> -> memref<768x256xf32, #tpu.memory_space<vmem>>
    %dma_start3A_769 = arith.constant 0 : i32
    %dma_start3A_770 = arith.constant 0 : i32
    %dma_start3A_771 = tpu.memref_slice %arg4[%dma_start3A_759, %dma_start3A_769, %dma_start3A_770] : memref<8x768x256xf32, #tpu.memory_space<any>> -> memref<1x768x256xf32, #tpu.memory_space<any>>
    %dma_start3A_772 = tpu.memref_squeeze %dma_start3A_771 : memref<1x768x256xf32, #tpu.memory_space<any>> -> memref<768x256xf32, #tpu.memory_space<any>>
    tpu.enqueue_dma source(%dma_start3A_772 : memref<768x256xf32, #tpu.memory_space<any>>) target(%dma_start3A_768 : memref<768x256xf32, #tpu.memory_space<vmem>>) target_semaphore(%dma_start3A_764 : memref<!tpu.dma_semaphore, #tpu.memory_space<semaphore_mem>>)
    %dma_start3A_773 = arith.constant 7 : i32
    %dma_start3A_774 = arith.constant 7 : i32
    %dma_start3A_775 = arith.constant 7 : i32
    %dma_start3A_776 = arith.constant 2 : i32
    %dma_start3A_777 = tpu.memref_slice %arg10[%dma_start3A_775, %dma_start3A_776] : memref<8x3x!tpu.dma_semaphore, #tpu.memory_space<semaphore_mem>> -> memref<1x1x!tpu.dma_semaphore, #tpu.memory_space<semaphore_mem>>
    %dma_start3A_778 = tpu.memref_squeeze %dma_start3A_777 : memref<1x1x!tpu.dma_semaphore, #tpu.memory_space<semaphore_mem>> -> memref<!tpu.dma_semaphore, #tpu.memory_space<semaphore_mem>>
    %dma_start3A_779 = arith.constant 0 : i32
    %dma_start3A_780 = arith.constant 0 : i32
    %dma_start3A_781 = tpu.memref_slice %arg9[%dma_start3A_774, %dma_start3A_779, %dma_start3A_780] : memref<8x256x768xf32, #tpu.memory_space<vmem>> -> memref<1x256x768xf32, #tpu.memory_space<vmem>>
    %dma_start3A_782 = tpu.memref_squeeze %dma_start3A_781 : memref<1x256x768xf32, #tpu.memory_space<vmem>> -> memref<256x768xf32, #tpu.memory_space<vmem>>
    %dma_start3A_783 = arith.constant 0 : i32
    %dma_start3A_784 = arith.constant 0 : i32
    %dma_start3A_785 = tpu.memref_slice %arg5[%dma_start3A_773, %dma_start3A_783, %dma_start3A_784] : memref<8x256x768xf32, #tpu.memory_space<any>> -> memref<1x256x768xf32, #tpu.memory_space<any>>
    %dma_start3A_786 = tpu.memref_squeeze %dma_start3A_785 : memref<1x256x768xf32, #tpu.memory_space<any>> -> memref<256x768xf32, #tpu.memory_space<any>>
    tpu.enqueue_dma source(%dma_start3A_786 : memref<256x768xf32, #tpu.memory_space<any>>) target(%dma_start3A_782 : memref<256x768xf32, #tpu.memory_space<vmem>>) target_semaphore(%dma_start3A_778 : memref<!tpu.dma_semaphore, #tpu.memory_space<semaphore_mem>>)
    %dma_wait3A_787 = arith.constant 5 : i32
    %dma_wait3A_788 = arith.constant 5 : i32
    %dma_wait3A_789 = arith.constant 5 : i32
    %dma_wait3A_790 = arith.constant 0 : i32
    %dma_wait3A_791 = tpu.memref_slice %arg10[%dma_wait3A_789, %dma_wait3A_790] : memref<8x3x!tpu.dma_semaphore, #tpu.memory_space<semaphore_mem>> -> memref<1x1x!tpu.dma_semaphore, #tpu.memory_space<semaphore_mem>>
    %dma_wait3A_792 = tpu.memref_squeeze %dma_wait3A_791 : memref<1x1x!tpu.dma_semaphore, #tpu.memory_space<semaphore_mem>> -> memref<!tpu.dma_semaphore, #tpu.memory_space<semaphore_mem>>
    %dma_wait3A_793 = arith.constant 0 : i32
    %dma_wait3A_794 = arith.constant 0 : i32
    %dma_wait3A_795 = tpu.memref_slice %arg7[%dma_wait3A_788, %dma_wait3A_793, %dma_wait3A_794] : memref<8x768x256xf32, #tpu.memory_space<vmem>> -> memref<1x768x256xf32, #tpu.memory_space<vmem>>
    %dma_wait3A_796 = tpu.memref_squeeze %dma_wait3A_795 : memref<1x768x256xf32, #tpu.memory_space<vmem>> -> memref<768x256xf32, #tpu.memory_space<vmem>>
    %dma_wait3A_797 = arith.constant 0 : i32
    %dma_wait3A_798 = arith.constant 0 : i32
    %dma_wait3A_799 = tpu.memref_slice %arg3[%dma_wait3A_787, %dma_wait3A_797, %dma_wait3A_798] : memref<8x768x256xf32, #tpu.memory_space<any>> -> memref<1x768x256xf32, #tpu.memory_space<any>>
    %dma_wait3A_800 = tpu.memref_squeeze %dma_wait3A_799 : memref<1x768x256xf32, #tpu.memory_space<any>> -> memref<768x256xf32, #tpu.memory_space<any>>
    tpu.wait_dma2 semaphore(%dma_wait3A_792 : memref<!tpu.dma_semaphore, #tpu.memory_space<semaphore_mem>>) src(%dma_wait3A_800 : memref<768x256xf32, #tpu.memory_space<any>>) dst(%dma_wait3A_796 : memref<768x256xf32, #tpu.memory_space<vmem>>)
    %dma_wait3A_801 = arith.constant 5 : i32
    %dma_wait3A_802 = arith.constant 5 : i32
    %dma_wait3A_803 = arith.constant 5 : i32
    %dma_wait3A_804 = arith.constant 1 : i32
    %dma_wait3A_805 = tpu.memref_slice %arg10[%dma_wait3A_803, %dma_wait3A_804] : memref<8x3x!tpu.dma_semaphore, #tpu.memory_space<semaphore_mem>> -> memref<1x1x!tpu.dma_semaphore, #tpu.memory_space<semaphore_mem>>
    %dma_wait3A_806 = tpu.memref_squeeze %dma_wait3A_805 : memref<1x1x!tpu.dma_semaphore, #tpu.memory_space<semaphore_mem>> -> memref<!tpu.dma_semaphore, #tpu.memory_space<semaphore_mem>>
    %dma_wait3A_807 = arith.constant 0 : i32
    %dma_wait3A_808 = arith.constant 0 : i32
    %dma_wait3A_809 = tpu.memref_slice %arg8[%dma_wait3A_802, %dma_wait3A_807, %dma_wait3A_808] : memref<8x768x256xf32, #tpu.memory_space<vmem>> -> memref<1x768x256xf32, #tpu.memory_space<vmem>>
    %dma_wait3A_810 = tpu.memref_squeeze %dma_wait3A_809 : memref<1x768x256xf32, #tpu.memory_space<vmem>> -> memref<768x256xf32, #tpu.memory_space<vmem>>
    %dma_wait3A_811 = arith.constant 0 : i32
    %dma_wait3A_812 = arith.constant 0 : i32
    %dma_wait3A_813 = tpu.memref_slice %arg4[%dma_wait3A_801, %dma_wait3A_811, %dma_wait3A_812] : memref<8x768x256xf32, #tpu.memory_space<any>> -> memref<1x768x256xf32, #tpu.memory_space<any>>
    %dma_wait3A_814 = tpu.memref_squeeze %dma_wait3A_813 : memref<1x768x256xf32, #tpu.memory_space<any>> -> memref<768x256xf32, #tpu.memory_space<any>>
    tpu.wait_dma2 semaphore(%dma_wait3A_806 : memref<!tpu.dma_semaphore, #tpu.memory_space<semaphore_mem>>) src(%dma_wait3A_814 : memref<768x256xf32, #tpu.memory_space<any>>) dst(%dma_wait3A_810 : memref<768x256xf32, #tpu.memory_space<vmem>>)
    %dma_wait3A_815 = arith.constant 5 : i32
    %dma_wait3A_816 = arith.constant 5 : i32
    %dma_wait3A_817 = arith.constant 5 : i32
    %dma_wait3A_818 = arith.constant 2 : i32
    %dma_wait3A_819 = tpu.memref_slice %arg10[%dma_wait3A_817, %dma_wait3A_818] : memref<8x3x!tpu.dma_semaphore, #tpu.memory_space<semaphore_mem>> -> memref<1x1x!tpu.dma_semaphore, #tpu.memory_space<semaphore_mem>>
    %dma_wait3A_820 = tpu.memref_squeeze %dma_wait3A_819 : memref<1x1x!tpu.dma_semaphore, #tpu.memory_space<semaphore_mem>> -> memref<!tpu.dma_semaphore, #tpu.memory_space<semaphore_mem>>
    %dma_wait3A_821 = arith.constant 0 : i32
    %dma_wait3A_822 = arith.constant 0 : i32
    %dma_wait3A_823 = tpu.memref_slice %arg9[%dma_wait3A_816, %dma_wait3A_821, %dma_wait3A_822] : memref<8x256x768xf32, #tpu.memory_space<vmem>> -> memref<1x256x768xf32, #tpu.memory_space<vmem>>
    %dma_wait3A_824 = tpu.memref_squeeze %dma_wait3A_823 : memref<1x256x768xf32, #tpu.memory_space<vmem>> -> memref<256x768xf32, #tpu.memory_space<vmem>>
    %dma_wait3A_825 = arith.constant 0 : i32
    %dma_wait3A_826 = arith.constant 0 : i32
    %dma_wait3A_827 = tpu.memref_slice %arg5[%dma_wait3A_815, %dma_wait3A_825, %dma_wait3A_826] : memref<8x256x768xf32, #tpu.memory_space<any>> -> memref<1x256x768xf32, #tpu.memory_space<any>>
    %dma_wait3A_828 = tpu.memref_squeeze %dma_wait3A_827 : memref<1x256x768xf32, #tpu.memory_space<any>> -> memref<256x768xf32, #tpu.memory_space<any>>
    tpu.wait_dma2 semaphore(%dma_wait3A_820 : memref<!tpu.dma_semaphore, #tpu.memory_space<semaphore_mem>>) src(%dma_wait3A_828 : memref<256x768xf32, #tpu.memory_space<any>>) dst(%dma_wait3A_824 : memref<256x768xf32, #tpu.memory_space<vmem>>)
    %convert_element_type3A_829 = arith.truncf %mul3A_96 : vector<128x768xf32> to vector<128x768xbf16>
    %get3A_830 = arith.constant 5 : index
    %get3A_831 = arith.constant 0 : index
    %get3A_832 = arith.constant 0 : index
    %get3A_833 = vector.load %arg7[%get3A_830, %get3A_831, %get3A_832] : memref<8x768x256xf32, #tpu.memory_space<vmem>>, vector<1x768x256xf32>
    %get3A_834 = vector.shape_cast %get3A_833 : vector<1x768x256xf32> to vector<768x256xf32>
    %convert_element_type3A_835 = arith.truncf %get3A_834 : vector<768x256xf32> to vector<768x256xbf16>
    %dot_general3A_836 = arith.constant dense<0.000000e+00> : vector<128x256xf32>
    %dot_general3A_837 = tpu.matmul %convert_element_type3A_829, %convert_element_type3A_835, %dot_general3A_836 {dimension_numbers = #tpu.dot_dimension_numbers<[1], [0], [0], [1], [0, 0, 1, 1], [], []>, transpose_lhs_hint = false} : vector<128x768xbf16>, vector<768x256xbf16>, vector<128x256xf32> -> vector<128x256xf32>
    %get3A_838 = arith.constant 5 : index
    %get3A_839 = arith.constant 0 : index
    %get3A_840 = arith.constant 0 : index
    %get3A_841 = vector.load %arg8[%get3A_838, %get3A_839, %get3A_840] : memref<8x768x256xf32, #tpu.memory_space<vmem>>, vector<1x768x256xf32>
    %get3A_842 = vector.shape_cast %get3A_841 : vector<1x768x256xf32> to vector<768x256xf32>
    %convert_element_type3A_843 = arith.truncf %get3A_842 : vector<768x256xf32> to vector<768x256xbf16>
    %dot_general3A_844 = arith.constant dense<0.000000e+00> : vector<128x256xf32>
    %dot_general3A_845 = tpu.matmul %convert_element_type3A_829, %convert_element_type3A_843, %dot_general3A_844 {dimension_numbers = #tpu.dot_dimension_numbers<[1], [0], [0], [1], [0, 0, 1, 1], [], []>, transpose_lhs_hint = false} : vector<128x768xbf16>, vector<768x256xbf16>, vector<128x256xf32> -> vector<128x256xf32>
    %logistic3A_846 = arith.negf %dot_general3A_837 : vector<128x256xf32>
    %logistic3A_847 = math.exp %logistic3A_846 : vector<128x256xf32>
    %logistic3A_848 = arith.constant 1.000000e+00 : f32
    %logistic3A_849 = vector.broadcast %logistic3A_848 : f32 to vector<128x256xf32>
    %logistic3A_850 = arith.addf %logistic3A_849, %logistic3A_847 : vector<128x256xf32>
    %logistic3A_851 = arith.divf %logistic3A_849, %logistic3A_850 : vector<128x256xf32>
    %mul3A_852 = arith.mulf %dot_general3A_837, %logistic3A_851 : vector<128x256xf32>
    %mul3A_853 = arith.mulf %mul3A_852, %dot_general3A_845 : vector<128x256xf32>
    %convert_element_type3A_854 = arith.truncf %mul3A_853 : vector<128x256xf32> to vector<128x256xbf16>
    %get3A_855 = arith.constant 5 : index
    %get3A_856 = arith.constant 0 : index
    %get3A_857 = arith.constant 0 : index
    %get3A_858 = vector.load %arg9[%get3A_855, %get3A_856, %get3A_857] : memref<8x256x768xf32, #tpu.memory_space<vmem>>, vector<1x256x768xf32>
    %get3A_859 = vector.shape_cast %get3A_858 : vector<1x256x768xf32> to vector<256x768xf32>
    %convert_element_type3A_860 = arith.truncf %get3A_859 : vector<256x768xf32> to vector<256x768xbf16>
    %dot_general3A_861 = arith.constant dense<0.000000e+00> : vector<128x768xf32>
    %dot_general3A_862 = tpu.matmul %convert_element_type3A_854, %convert_element_type3A_860, %dot_general3A_861 {dimension_numbers = #tpu.dot_dimension_numbers<[1], [0], [0], [1], [0, 0, 1, 1], [], []>, transpose_lhs_hint = false} : vector<128x256xbf16>, vector<256x768xbf16>, vector<128x768xf32> -> vector<128x768xf32>
    %eq3A_863 = arith.constant 5 : i32
    %eq3A_864 = vector.broadcast %eq3A_863 : i32 to vector<128x8xi32>
    %eq3A_865 = arith.cmpi eq, %iota3A, %eq3A_864 : vector<128x8xi32>
    %jit3A_866 = arith.constant 0.000000e+00 : f32
    %broadcast_in_dim3A_867 = vector.broadcast %jit3A_866 : f32 to vector<128x8xf32>
    %select_n3A_868 = arith.select %eq3A_865, %get3A_99, %broadcast_in_dim3A_867 : vector<128x8xi1>, vector<128x8xf32>
    %reduce_sum3A_869 = arith.constant dense<0.000000e+00> : vector<128xf32>
    %reduce_sum3A_870 = vector.multi_reduction <add>, %select_n3A_868, %reduce_sum3A_869 [1] : vector<128x8xf32> to vector<128xf32>
    %broadcast_in_dim3A_871 = vector.shape_cast %reduce_sum3A_870 : vector<128xf32> to vector<128x1xf32>
    %mul3A_872 = vector.broadcast %broadcast_in_dim3A_871 : vector<128x1xf32> to vector<128x768xf32>
    %mul3A_873 = arith.mulf %mul3A_872, %dot_general3A_862 : vector<128x768xf32>
    %add3A_874 = arith.addf %add3A_744, %mul3A_873 : vector<128x768xf32>
    %dma_wait3A_875 = arith.constant 6 : i32
    %dma_wait3A_876 = arith.constant 6 : i32
    %dma_wait3A_877 = arith.constant 6 : i32
    %dma_wait3A_878 = arith.constant 0 : i32
    %dma_wait3A_879 = tpu.memref_slice %arg10[%dma_wait3A_877, %dma_wait3A_878] : memref<8x3x!tpu.dma_semaphore, #tpu.memory_space<semaphore_mem>> -> memref<1x1x!tpu.dma_semaphore, #tpu.memory_space<semaphore_mem>>
    %dma_wait3A_880 = tpu.memref_squeeze %dma_wait3A_879 : memref<1x1x!tpu.dma_semaphore, #tpu.memory_space<semaphore_mem>> -> memref<!tpu.dma_semaphore, #tpu.memory_space<semaphore_mem>>
    %dma_wait3A_881 = arith.constant 0 : i32
    %dma_wait3A_882 = arith.constant 0 : i32
    %dma_wait3A_883 = tpu.memref_slice %arg7[%dma_wait3A_876, %dma_wait3A_881, %dma_wait3A_882] : memref<8x768x256xf32, #tpu.memory_space<vmem>> -> memref<1x768x256xf32, #tpu.memory_space<vmem>>
    %dma_wait3A_884 = tpu.memref_squeeze %dma_wait3A_883 : memref<1x768x256xf32, #tpu.memory_space<vmem>> -> memref<768x256xf32, #tpu.memory_space<vmem>>
    %dma_wait3A_885 = arith.constant 0 : i32
    %dma_wait3A_886 = arith.constant 0 : i32
    %dma_wait3A_887 = tpu.memref_slice %arg3[%dma_wait3A_875, %dma_wait3A_885, %dma_wait3A_886] : memref<8x768x256xf32, #tpu.memory_space<any>> -> memref<1x768x256xf32, #tpu.memory_space<any>>
    %dma_wait3A_888 = tpu.memref_squeeze %dma_wait3A_887 : memref<1x768x256xf32, #tpu.memory_space<any>> -> memref<768x256xf32, #tpu.memory_space<any>>
    tpu.wait_dma2 semaphore(%dma_wait3A_880 : memref<!tpu.dma_semaphore, #tpu.memory_space<semaphore_mem>>) src(%dma_wait3A_888 : memref<768x256xf32, #tpu.memory_space<any>>) dst(%dma_wait3A_884 : memref<768x256xf32, #tpu.memory_space<vmem>>)
    %dma_wait3A_889 = arith.constant 6 : i32
    %dma_wait3A_890 = arith.constant 6 : i32
    %dma_wait3A_891 = arith.constant 6 : i32
    %dma_wait3A_892 = arith.constant 1 : i32
    %dma_wait3A_893 = tpu.memref_slice %arg10[%dma_wait3A_891, %dma_wait3A_892] : memref<8x3x!tpu.dma_semaphore, #tpu.memory_space<semaphore_mem>> -> memref<1x1x!tpu.dma_semaphore, #tpu.memory_space<semaphore_mem>>
    %dma_wait3A_894 = tpu.memref_squeeze %dma_wait3A_893 : memref<1x1x!tpu.dma_semaphore, #tpu.memory_space<semaphore_mem>> -> memref<!tpu.dma_semaphore, #tpu.memory_space<semaphore_mem>>
    %dma_wait3A_895 = arith.constant 0 : i32
    %dma_wait3A_896 = arith.constant 0 : i32
    %dma_wait3A_897 = tpu.memref_slice %arg8[%dma_wait3A_890, %dma_wait3A_895, %dma_wait3A_896] : memref<8x768x256xf32, #tpu.memory_space<vmem>> -> memref<1x768x256xf32, #tpu.memory_space<vmem>>
    %dma_wait3A_898 = tpu.memref_squeeze %dma_wait3A_897 : memref<1x768x256xf32, #tpu.memory_space<vmem>> -> memref<768x256xf32, #tpu.memory_space<vmem>>
    %dma_wait3A_899 = arith.constant 0 : i32
    %dma_wait3A_900 = arith.constant 0 : i32
    %dma_wait3A_901 = tpu.memref_slice %arg4[%dma_wait3A_889, %dma_wait3A_899, %dma_wait3A_900] : memref<8x768x256xf32, #tpu.memory_space<any>> -> memref<1x768x256xf32, #tpu.memory_space<any>>
    %dma_wait3A_902 = tpu.memref_squeeze %dma_wait3A_901 : memref<1x768x256xf32, #tpu.memory_space<any>> -> memref<768x256xf32, #tpu.memory_space<any>>
    tpu.wait_dma2 semaphore(%dma_wait3A_894 : memref<!tpu.dma_semaphore, #tpu.memory_space<semaphore_mem>>) src(%dma_wait3A_902 : memref<768x256xf32, #tpu.memory_space<any>>) dst(%dma_wait3A_898 : memref<768x256xf32, #tpu.memory_space<vmem>>)
    %dma_wait3A_903 = arith.constant 6 : i32
    %dma_wait3A_904 = arith.constant 6 : i32
    %dma_wait3A_905 = arith.constant 6 : i32
    %dma_wait3A_906 = arith.constant 2 : i32
    %dma_wait3A_907 = tpu.memref_slice %arg10[%dma_wait3A_905, %dma_wait3A_906] : memref<8x3x!tpu.dma_semaphore, #tpu.memory_space<semaphore_mem>> -> memref<1x1x!tpu.dma_semaphore, #tpu.memory_space<semaphore_mem>>
    %dma_wait3A_908 = tpu.memref_squeeze %dma_wait3A_907 : memref<1x1x!tpu.dma_semaphore, #tpu.memory_space<semaphore_mem>> -> memref<!tpu.dma_semaphore, #tpu.memory_space<semaphore_mem>>
    %dma_wait3A_909 = arith.constant 0 : i32
    %dma_wait3A_910 = arith.constant 0 : i32
    %dma_wait3A_911 = tpu.memref_slice %arg9[%dma_wait3A_904, %dma_wait3A_909, %dma_wait3A_910] : memref<8x256x768xf32, #tpu.memory_space<vmem>> -> memref<1x256x768xf32, #tpu.memory_space<vmem>>
    %dma_wait3A_912 = tpu.memref_squeeze %dma_wait3A_911 : memref<1x256x768xf32, #tpu.memory_space<vmem>> -> memref<256x768xf32, #tpu.memory_space<vmem>>
    %dma_wait3A_913 = arith.constant 0 : i32
    %dma_wait3A_914 = arith.constant 0 : i32
    %dma_wait3A_915 = tpu.memref_slice %arg5[%dma_wait3A_903, %dma_wait3A_913, %dma_wait3A_914] : memref<8x256x768xf32, #tpu.memory_space<any>> -> memref<1x256x768xf32, #tpu.memory_space<any>>
    %dma_wait3A_916 = tpu.memref_squeeze %dma_wait3A_915 : memref<1x256x768xf32, #tpu.memory_space<any>> -> memref<256x768xf32, #tpu.memory_space<any>>
    tpu.wait_dma2 semaphore(%dma_wait3A_908 : memref<!tpu.dma_semaphore, #tpu.memory_space<semaphore_mem>>) src(%dma_wait3A_916 : memref<256x768xf32, #tpu.memory_space<any>>) dst(%dma_wait3A_912 : memref<256x768xf32, #tpu.memory_space<vmem>>)
    %convert_element_type3A_917 = arith.truncf %mul3A_96 : vector<128x768xf32> to vector<128x768xbf16>
    %get3A_918 = arith.constant 6 : index
    %get3A_919 = arith.constant 0 : index
    %get3A_920 = arith.constant 0 : index
    %get3A_921 = vector.load %arg7[%get3A_918, %get3A_919, %get3A_920] : memref<8x768x256xf32, #tpu.memory_space<vmem>>, vector<1x768x256xf32>
    %get3A_922 = vector.shape_cast %get3A_921 : vector<1x768x256xf32> to vector<768x256xf32>
    %convert_element_type3A_923 = arith.truncf %get3A_922 : vector<768x256xf32> to vector<768x256xbf16>
    %dot_general3A_924 = arith.constant dense<0.000000e+00> : vector<128x256xf32>
    %dot_general3A_925 = tpu.matmul %convert_element_type3A_917, %convert_element_type3A_923, %dot_general3A_924 {dimension_numbers = #tpu.dot_dimension_numbers<[1], [0], [0], [1], [0, 0, 1, 1], [], []>, transpose_lhs_hint = false} : vector<128x768xbf16>, vector<768x256xbf16>, vector<128x256xf32> -> vector<128x256xf32>
    %get3A_926 = arith.constant 6 : index
    %get3A_927 = arith.constant 0 : index
    %get3A_928 = arith.constant 0 : index
    %get3A_929 = vector.load %arg8[%get3A_926, %get3A_927, %get3A_928] : memref<8x768x256xf32, #tpu.memory_space<vmem>>, vector<1x768x256xf32>
    %get3A_930 = vector.shape_cast %get3A_929 : vector<1x768x256xf32> to vector<768x256xf32>
    %convert_element_type3A_931 = arith.truncf %get3A_930 : vector<768x256xf32> to vector<768x256xbf16>
    %dot_general3A_932 = arith.constant dense<0.000000e+00> : vector<128x256xf32>
    %dot_general3A_933 = tpu.matmul %convert_element_type3A_917, %convert_element_type3A_931, %dot_general3A_932 {dimension_numbers = #tpu.dot_dimension_numbers<[1], [0], [0], [1], [0, 0, 1, 1], [], []>, transpose_lhs_hint = false} : vector<128x768xbf16>, vector<768x256xbf16>, vector<128x256xf32> -> vector<128x256xf32>
    %logistic3A_934 = arith.negf %dot_general3A_925 : vector<128x256xf32>
    %logistic3A_935 = math.exp %logistic3A_934 : vector<128x256xf32>
    %logistic3A_936 = arith.constant 1.000000e+00 : f32
    %logistic3A_937 = vector.broadcast %logistic3A_936 : f32 to vector<128x256xf32>
    %logistic3A_938 = arith.addf %logistic3A_937, %logistic3A_935 : vector<128x256xf32>
    %logistic3A_939 = arith.divf %logistic3A_937, %logistic3A_938 : vector<128x256xf32>
    %mul3A_940 = arith.mulf %dot_general3A_925, %logistic3A_939 : vector<128x256xf32>
    %mul3A_941 = arith.mulf %mul3A_940, %dot_general3A_933 : vector<128x256xf32>
    %convert_element_type3A_942 = arith.truncf %mul3A_941 : vector<128x256xf32> to vector<128x256xbf16>
    %get3A_943 = arith.constant 6 : index
    %get3A_944 = arith.constant 0 : index
    %get3A_945 = arith.constant 0 : index
    %get3A_946 = vector.load %arg9[%get3A_943, %get3A_944, %get3A_945] : memref<8x256x768xf32, #tpu.memory_space<vmem>>, vector<1x256x768xf32>
    %get3A_947 = vector.shape_cast %get3A_946 : vector<1x256x768xf32> to vector<256x768xf32>
    %convert_element_type3A_948 = arith.truncf %get3A_947 : vector<256x768xf32> to vector<256x768xbf16>
    %dot_general3A_949 = arith.constant dense<0.000000e+00> : vector<128x768xf32>
    %dot_general3A_950 = tpu.matmul %convert_element_type3A_942, %convert_element_type3A_948, %dot_general3A_949 {dimension_numbers = #tpu.dot_dimension_numbers<[1], [0], [0], [1], [0, 0, 1, 1], [], []>, transpose_lhs_hint = false} : vector<128x256xbf16>, vector<256x768xbf16>, vector<128x768xf32> -> vector<128x768xf32>
    %eq3A_951 = arith.constant 6 : i32
    %eq3A_952 = vector.broadcast %eq3A_951 : i32 to vector<128x8xi32>
    %eq3A_953 = arith.cmpi eq, %iota3A, %eq3A_952 : vector<128x8xi32>
    %jit3A_954 = arith.constant 0.000000e+00 : f32
    %broadcast_in_dim3A_955 = vector.broadcast %jit3A_954 : f32 to vector<128x8xf32>
    %select_n3A_956 = arith.select %eq3A_953, %get3A_99, %broadcast_in_dim3A_955 : vector<128x8xi1>, vector<128x8xf32>
    %reduce_sum3A_957 = arith.constant dense<0.000000e+00> : vector<128xf32>
    %reduce_sum3A_958 = vector.multi_reduction <add>, %select_n3A_956, %reduce_sum3A_957 [1] : vector<128x8xf32> to vector<128xf32>
    %broadcast_in_dim3A_959 = vector.shape_cast %reduce_sum3A_958 : vector<128xf32> to vector<128x1xf32>
    %mul3A_960 = vector.broadcast %broadcast_in_dim3A_959 : vector<128x1xf32> to vector<128x768xf32>
    %mul3A_961 = arith.mulf %mul3A_960, %dot_general3A_950 : vector<128x768xf32>
    %add3A_962 = arith.addf %add3A_874, %mul3A_961 : vector<128x768xf32>
    %dma_wait3A_963 = arith.constant 7 : i32
    %dma_wait3A_964 = arith.constant 7 : i32
    %dma_wait3A_965 = arith.constant 7 : i32
    %dma_wait3A_966 = arith.constant 0 : i32
    %dma_wait3A_967 = tpu.memref_slice %arg10[%dma_wait3A_965, %dma_wait3A_966] : memref<8x3x!tpu.dma_semaphore, #tpu.memory_space<semaphore_mem>> -> memref<1x1x!tpu.dma_semaphore, #tpu.memory_space<semaphore_mem>>
    %dma_wait3A_968 = tpu.memref_squeeze %dma_wait3A_967 : memref<1x1x!tpu.dma_semaphore, #tpu.memory_space<semaphore_mem>> -> memref<!tpu.dma_semaphore, #tpu.memory_space<semaphore_mem>>
    %dma_wait3A_969 = arith.constant 0 : i32
    %dma_wait3A_970 = arith.constant 0 : i32
    %dma_wait3A_971 = tpu.memref_slice %arg7[%dma_wait3A_964, %dma_wait3A_969, %dma_wait3A_970] : memref<8x768x256xf32, #tpu.memory_space<vmem>> -> memref<1x768x256xf32, #tpu.memory_space<vmem>>
    %dma_wait3A_972 = tpu.memref_squeeze %dma_wait3A_971 : memref<1x768x256xf32, #tpu.memory_space<vmem>> -> memref<768x256xf32, #tpu.memory_space<vmem>>
    %dma_wait3A_973 = arith.constant 0 : i32
    %dma_wait3A_974 = arith.constant 0 : i32
    %dma_wait3A_975 = tpu.memref_slice %arg3[%dma_wait3A_963, %dma_wait3A_973, %dma_wait3A_974] : memref<8x768x256xf32, #tpu.memory_space<any>> -> memref<1x768x256xf32, #tpu.memory_space<any>>
    %dma_wait3A_976 = tpu.memref_squeeze %dma_wait3A_975 : memref<1x768x256xf32, #tpu.memory_space<any>> -> memref<768x256xf32, #tpu.memory_space<any>>
    tpu.wait_dma2 semaphore(%dma_wait3A_968 : memref<!tpu.dma_semaphore, #tpu.memory_space<semaphore_mem>>) src(%dma_wait3A_976 : memref<768x256xf32, #tpu.memory_space<any>>) dst(%dma_wait3A_972 : memref<768x256xf32, #tpu.memory_space<vmem>>)
    %dma_wait3A_977 = arith.constant 7 : i32
    %dma_wait3A_978 = arith.constant 7 : i32
    %dma_wait3A_979 = arith.constant 7 : i32
    %dma_wait3A_980 = arith.constant 1 : i32
    %dma_wait3A_981 = tpu.memref_slice %arg10[%dma_wait3A_979, %dma_wait3A_980] : memref<8x3x!tpu.dma_semaphore, #tpu.memory_space<semaphore_mem>> -> memref<1x1x!tpu.dma_semaphore, #tpu.memory_space<semaphore_mem>>
    %dma_wait3A_982 = tpu.memref_squeeze %dma_wait3A_981 : memref<1x1x!tpu.dma_semaphore, #tpu.memory_space<semaphore_mem>> -> memref<!tpu.dma_semaphore, #tpu.memory_space<semaphore_mem>>
    %dma_wait3A_983 = arith.constant 0 : i32
    %dma_wait3A_984 = arith.constant 0 : i32
    %dma_wait3A_985 = tpu.memref_slice %arg8[%dma_wait3A_978, %dma_wait3A_983, %dma_wait3A_984] : memref<8x768x256xf32, #tpu.memory_space<vmem>> -> memref<1x768x256xf32, #tpu.memory_space<vmem>>
    %dma_wait3A_986 = tpu.memref_squeeze %dma_wait3A_985 : memref<1x768x256xf32, #tpu.memory_space<vmem>> -> memref<768x256xf32, #tpu.memory_space<vmem>>
    %dma_wait3A_987 = arith.constant 0 : i32
    %dma_wait3A_988 = arith.constant 0 : i32
    %dma_wait3A_989 = tpu.memref_slice %arg4[%dma_wait3A_977, %dma_wait3A_987, %dma_wait3A_988] : memref<8x768x256xf32, #tpu.memory_space<any>> -> memref<1x768x256xf32, #tpu.memory_space<any>>
    %dma_wait3A_990 = tpu.memref_squeeze %dma_wait3A_989 : memref<1x768x256xf32, #tpu.memory_space<any>> -> memref<768x256xf32, #tpu.memory_space<any>>
    tpu.wait_dma2 semaphore(%dma_wait3A_982 : memref<!tpu.dma_semaphore, #tpu.memory_space<semaphore_mem>>) src(%dma_wait3A_990 : memref<768x256xf32, #tpu.memory_space<any>>) dst(%dma_wait3A_986 : memref<768x256xf32, #tpu.memory_space<vmem>>)
    %dma_wait3A_991 = arith.constant 7 : i32
    %dma_wait3A_992 = arith.constant 7 : i32
    %dma_wait3A_993 = arith.constant 7 : i32
    %dma_wait3A_994 = arith.constant 2 : i32
    %dma_wait3A_995 = tpu.memref_slice %arg10[%dma_wait3A_993, %dma_wait3A_994] : memref<8x3x!tpu.dma_semaphore, #tpu.memory_space<semaphore_mem>> -> memref<1x1x!tpu.dma_semaphore, #tpu.memory_space<semaphore_mem>>
    %dma_wait3A_996 = tpu.memref_squeeze %dma_wait3A_995 : memref<1x1x!tpu.dma_semaphore, #tpu.memory_space<semaphore_mem>> -> memref<!tpu.dma_semaphore, #tpu.memory_space<semaphore_mem>>
    %dma_wait3A_997 = arith.constant 0 : i32
    %dma_wait3A_998 = arith.constant 0 : i32
    %dma_wait3A_999 = tpu.memref_slice %arg9[%dma_wait3A_992, %dma_wait3A_997, %dma_wait3A_998] : memref<8x256x768xf32, #tpu.memory_space<vmem>> -> memref<1x256x768xf32, #tpu.memory_space<vmem>>
    %dma_wait3A_1000 = tpu.memref_squeeze %dma_wait3A_999 : memref<1x256x768xf32, #tpu.memory_space<vmem>> -> memref<256x768xf32, #tpu.memory_space<vmem>>
    %dma_wait3A_1001 = arith.constant 0 : i32
    %dma_wait3A_1002 = arith.constant 0 : i32
    %dma_wait3A_1003 = tpu.memref_slice %arg5[%dma_wait3A_991, %dma_wait3A_1001, %dma_wait3A_1002] : memref<8x256x768xf32, #tpu.memory_space<any>> -> memref<1x256x768xf32, #tpu.memory_space<any>>
    %dma_wait3A_1004 = tpu.memref_squeeze %dma_wait3A_1003 : memref<1x256x768xf32, #tpu.memory_space<any>> -> memref<256x768xf32, #tpu.memory_space<any>>
    tpu.wait_dma2 semaphore(%dma_wait3A_996 : memref<!tpu.dma_semaphore, #tpu.memory_space<semaphore_mem>>) src(%dma_wait3A_1004 : memref<256x768xf32, #tpu.memory_space<any>>) dst(%dma_wait3A_1000 : memref<256x768xf32, #tpu.memory_space<vmem>>)
    %convert_element_type3A_1005 = arith.truncf %mul3A_96 : vector<128x768xf32> to vector<128x768xbf16>
    %get3A_1006 = arith.constant 7 : index
    %get3A_1007 = arith.constant 0 : index
    %get3A_1008 = arith.constant 0 : index
    %get3A_1009 = vector.load %arg7[%get3A_1006, %get3A_1007, %get3A_1008] : memref<8x768x256xf32, #tpu.memory_space<vmem>>, vector<1x768x256xf32>
    %get3A_1010 = vector.shape_cast %get3A_1009 : vector<1x768x256xf32> to vector<768x256xf32>
    %convert_element_type3A_1011 = arith.truncf %get3A_1010 : vector<768x256xf32> to vector<768x256xbf16>
    %dot_general3A_1012 = arith.constant dense<0.000000e+00> : vector<128x256xf32>
    %dot_general3A_1013 = tpu.matmul %convert_element_type3A_1005, %convert_element_type3A_1011, %dot_general3A_1012 {dimension_numbers = #tpu.dot_dimension_numbers<[1], [0], [0], [1], [0, 0, 1, 1], [], []>, transpose_lhs_hint = false} : vector<128x768xbf16>, vector<768x256xbf16>, vector<128x256xf32> -> vector<128x256xf32>
    %get3A_1014 = arith.constant 7 : index
    %get3A_1015 = arith.constant 0 : index
    %get3A_1016 = arith.constant 0 : index
    %get3A_1017 = vector.load %arg8[%get3A_1014, %get3A_1015, %get3A_1016] : memref<8x768x256xf32, #tpu.memory_space<vmem>>, vector<1x768x256xf32>
    %get3A_1018 = vector.shape_cast %get3A_1017 : vector<1x768x256xf32> to vector<768x256xf32>
    %convert_element_type3A_1019 = arith.truncf %get3A_1018 : vector<768x256xf32> to vector<768x256xbf16>
    %dot_general3A_1020 = arith.constant dense<0.000000e+00> : vector<128x256xf32>
    %dot_general3A_1021 = tpu.matmul %convert_element_type3A_1005, %convert_element_type3A_1019, %dot_general3A_1020 {dimension_numbers = #tpu.dot_dimension_numbers<[1], [0], [0], [1], [0, 0, 1, 1], [], []>, transpose_lhs_hint = false} : vector<128x768xbf16>, vector<768x256xbf16>, vector<128x256xf32> -> vector<128x256xf32>
    %logistic3A_1022 = arith.negf %dot_general3A_1013 : vector<128x256xf32>
    %logistic3A_1023 = math.exp %logistic3A_1022 : vector<128x256xf32>
    %logistic3A_1024 = arith.constant 1.000000e+00 : f32
    %logistic3A_1025 = vector.broadcast %logistic3A_1024 : f32 to vector<128x256xf32>
    %logistic3A_1026 = arith.addf %logistic3A_1025, %logistic3A_1023 : vector<128x256xf32>
    %logistic3A_1027 = arith.divf %logistic3A_1025, %logistic3A_1026 : vector<128x256xf32>
    %mul3A_1028 = arith.mulf %dot_general3A_1013, %logistic3A_1027 : vector<128x256xf32>
    %mul3A_1029 = arith.mulf %mul3A_1028, %dot_general3A_1021 : vector<128x256xf32>
    %convert_element_type3A_1030 = arith.truncf %mul3A_1029 : vector<128x256xf32> to vector<128x256xbf16>
    %get3A_1031 = arith.constant 7 : index
    %get3A_1032 = arith.constant 0 : index
    %get3A_1033 = arith.constant 0 : index
    %get3A_1034 = vector.load %arg9[%get3A_1031, %get3A_1032, %get3A_1033] : memref<8x256x768xf32, #tpu.memory_space<vmem>>, vector<1x256x768xf32>
    %get3A_1035 = vector.shape_cast %get3A_1034 : vector<1x256x768xf32> to vector<256x768xf32>
    %convert_element_type3A_1036 = arith.truncf %get3A_1035 : vector<256x768xf32> to vector<256x768xbf16>
    %dot_general3A_1037 = arith.constant dense<0.000000e+00> : vector<128x768xf32>
    %dot_general3A_1038 = tpu.matmul %convert_element_type3A_1030, %convert_element_type3A_1036, %dot_general3A_1037 {dimension_numbers = #tpu.dot_dimension_numbers<[1], [0], [0], [1], [0, 0, 1, 1], [], []>, transpose_lhs_hint = false} : vector<128x256xbf16>, vector<256x768xbf16>, vector<128x768xf32> -> vector<128x768xf32>
    %eq3A_1039 = arith.constant 7 : i32
    %eq3A_1040 = vector.broadcast %eq3A_1039 : i32 to vector<128x8xi32>
    %eq3A_1041 = arith.cmpi eq, %iota3A, %eq3A_1040 : vector<128x8xi32>
    %jit3A_1042 = arith.constant 0.000000e+00 : f32
    %broadcast_in_dim3A_1043 = vector.broadcast %jit3A_1042 : f32 to vector<128x8xf32>
    %select_n3A_1044 = arith.select %eq3A_1041, %get3A_99, %broadcast_in_dim3A_1043 : vector<128x8xi1>, vector<128x8xf32>
    %reduce_sum3A_1045 = arith.constant dense<0.000000e+00> : vector<128xf32>
    %reduce_sum3A_1046 = vector.multi_reduction <add>, %select_n3A_1044, %reduce_sum3A_1045 [1] : vector<128x8xf32> to vector<128xf32>
    %broadcast_in_dim3A_1047 = vector.shape_cast %reduce_sum3A_1046 : vector<128xf32> to vector<128x1xf32>
    %mul3A_1048 = vector.broadcast %broadcast_in_dim3A_1047 : vector<128x1xf32> to vector<128x768xf32>
    %mul3A_1049 = arith.mulf %mul3A_1048, %dot_general3A_1038 : vector<128x768xf32>
    %add3A_1050 = arith.addf %add3A_962, %mul3A_1049 : vector<128x768xf32>
    %swap3A = arith.constant 0 : index
    %swap3A_1051 = arith.constant 0 : index
    %swap3A_1052 = vector.load %arg6[%swap3A, %swap3A_1051] : memref<128x768xf32, #tpu.memory_space<vmem>>, vector<128x768xf32>
    tpu.vector_store %arg6[%swap3A, %swap3A_1051], %add3A_1050 {strides = array<i32>} : memref<128x768xf32, #tpu.memory_space<vmem>>, vector<128x768xf32>,
    return
  }
}

module attributes {stable_mosaic.version = 14 : i64} {
  func.func @_router_logits_kernel(%arg0: memref<128x768xf32, #tpu.memory_space<vmem>>, %arg1: memref<1x768xf32, #tpu.memory_space<vmem>>, %arg2: memref<8x768xf32, #tpu.memory_space<vmem>>, %arg3: memref<8x128xf32, #tpu.memory_space<vmem>>) attributes {dimension_semantics = [], scalar_prefetch = 0 : i64, scratch_operands = 0 : i64, tpu.core_type = #tpu.core_type<tc>} {
    %get3A = arith.constant 0 : index
    %get3A_0 = arith.constant 0 : index
    %get3A_1 = vector.load %arg0[%get3A, %get3A_0] : memref<128x768xf32, #tpu.memory_space<vmem>>, vector<128x768xf32>
    %mul3A = arith.mulf %get3A_1, %get3A_1 : vector<128x768xf32>
    %reduce_sum3A = arith.constant dense<0.000000e+00> : vector<128xf32>
    %reduce_sum3A_2 = vector.multi_reduction <add>, %mul3A, %reduce_sum3A [1] : vector<128x768xf32> to vector<128xf32>
    %broadcast_in_dim3A = vector.shape_cast %reduce_sum3A_2 : vector<128xf32> to vector<128x1xf32>
    %div3A = arith.constant 7.680000e+02 : f32
    %div3A_3 = vector.broadcast %div3A : f32 to vector<128x1xf32>
    %div3A_4 = arith.divf %broadcast_in_dim3A, %div3A_3 : vector<128x1xf32>
    %add3A = arith.constant 9.99999997E-7 : f32
    %add3A_5 = vector.broadcast %add3A : f32 to vector<128x1xf32>
    %add3A_6 = arith.addf %div3A_4, %add3A_5 : vector<128x1xf32>
    %rsqrt3A = math.rsqrt %add3A_6 : vector<128x1xf32>
    %mul3A_7 = vector.broadcast %rsqrt3A : vector<128x1xf32> to vector<128x768xf32>
    %mul3A_8 = arith.mulf %get3A_1, %mul3A_7 : vector<128x768xf32>
    %get3A_9 = arith.constant 0 : index
    %get3A_10 = arith.constant 0 : index
    %get3A_11 = vector.load %arg1[%get3A_9, %get3A_10] : memref<1x768xf32, #tpu.memory_space<vmem>>, vector<1x768xf32>
    %mul3A_12 = vector.broadcast %get3A_11 : vector<1x768xf32> to vector<128x768xf32>
    %mul3A_13 = arith.mulf %mul3A_8, %mul3A_12 : vector<128x768xf32>
    %get3A_14 = arith.constant 0 : index
    %get3A_15 = arith.constant 0 : index
    %get3A_16 = vector.load %arg2[%get3A_14, %get3A_15] : memref<8x768xf32, #tpu.memory_space<vmem>>, vector<8x768xf32>
    %dot_general3A = arith.constant dense<0.000000e+00> : vector<8x128xf32>
    %dot_general3A_17 = tpu.matmul %get3A_16, %mul3A_13, %dot_general3A {dimension_numbers = #tpu.dot_dimension_numbers<[1], [1], [0], [0], [0, 0, 1, 0], [], []>, transpose_lhs_hint = false} : vector<8x768xf32>, vector<128x768xf32>, vector<8x128xf32> -> vector<8x128xf32>
    %swap3A = arith.constant 0 : index
    %swap3A_18 = arith.constant 0 : index
    %swap3A_19 = vector.load %arg3[%swap3A, %swap3A_18] : memref<8x128xf32, #tpu.memory_space<vmem>>, vector<8x128xf32>
    tpu.vector_store %arg3[%swap3A, %swap3A_18], %dot_general3A_17 {strides = array<i32>} : memref<8x128xf32, #tpu.memory_space<vmem>>, vector<8x128xf32>,
    return
  }
}

</mosaic_0001>

<sc_bundles>
// kernel: kernel.5.cloned.1.call-start
scs
__scs_entry_jumppad:
0x0: {  	(pc) =	sbr.rel $0x88, $3  }
0x1: {  	(tag) =	ssettag $0x0;
	lr =	simm.s32 $0x1  }
0x2: {  	[smem:$0x3F9B] =	sst lr;
	_ =	strace $0xD0000000  }
0x3: {  	_ = 	snop  }
0x4: {  	_ = 	snop  }
0x5: {  	_ = 	snop  }
0x6: {  	_ = 	snop  }
0x7: {  	_ = 	snop  }
__scs_overlays_trampoline_lowered:
0x8: {  	[smem:$0x3FAA] =	sst s0  }
0x9: {  	[smem:$0x3FAB] =	sst s1  }
0xa: {  	[smem:$0x3FAC] =	sst s2  }
0xb: {  	[smem:$0x3FAD] =	sst s3  }
0xc: {  	[smem:$0x3FAE] =	sst s4  }
0xd: {  	[smem:$0x3FAF] =	sst s5  }
0xe: {  	[smem:$0x3FB0] =	sst s6  }
0xf: {  	[smem:$0x3FB1] =	sst s7  }
0x10: {  	[smem:$0x3FB2] =	sst s8  }
0x11: {  	[smem:$0x3FB3] =	sst s9;
	s0 =	simm.s32 @!p0 $0x0  }
0x12: {  	s1 =	sld [smem:$0x3F99];
	s0 =	simm.s32 @p0 $0x1  }
0x13: {  	[smem:$0x3FB4] =	sst s0;
	s0 =	simm.s32 @!p1 $0x0  }
0x14: {  	s2 =	sld [smem:$0x3F98];
	s0 =	simm.s32 @p1 $0x1  }
0x15: {  	[smem:$0x3FB5] =	sst s0;
	s0 =	simm.s32 @!p2 $0x0  }
0x16: {  	s3 =	sld [smem:$0x3FDB];
	s0 =	simm.s32 @p2 $0x1  }
0x17: {  	s4 =	simm.s32 $0x1BF5;
	[smem:$0x3FB7] =	sst s0  }
0x18: {  	s0 =	sld [smem:$0x3F9A];
	_ =	swait.ge [sflag:s4], $0x0  }
0x19: {  	s7 =	sld [smem:$0x3F9B]  }
0x1a: {  	s8 =	sadd.s32 $0xFFFFE003, lr  }
0x1b: {  	s9 =	sadd.s32 $0xFFFFFEF7, lr;
	s5 =	simm.s32 $0xFFFFFFFF;
	p2 =	slt.u32 s8, $0xFFFFF086  }
0x1c: {  	p1 =	slt.u32 s9, $0xF7A;
	s5 =	simm.s32 @!p2 $0x0  }
0x1d: {  	s5 =	simm.s32 @p1 $0x1;
	p0 =	seq.s32 s7, s2  }
0x1e: {  	s7 =	smul.u32 @!p0 $0xF7A, s2;
	p2 =	seq.s32 @!p0 s5, $0x0  }
0x1f: {  	s9 =	smul.u32 $0xF7A, s1;
	s8 =	simm.s32 @!p0 $0x1BF5;
	p2 =	por !p2, p0  }
0x20: {  	[sflag:s8] =	ssyncset.s32 @!p0 $0xFFFFF086;
	s6 =	sadd.s32 @!p0 s3, s7;
	s7 =	simm.s32 @!p0 $0x108  }
0x21: {  	s3 =	sadd.s32 s3, s9;
	s6 =	sadd.s32 @!p0 $0x88, s6;
	s7 =	simm.s32 @p2 $0x1082  }
0x22: {  	[simem:s7], [sflag:s8] =	dma.local @!p0 [hbm:s6], $0xF7A  }
0x23: {  	s9 =	sor.u32 $0xD0000000, s2;
	s6 =	simm.s32 $0x108;
	_ =	swait.ge @!p0 [sflag:s8], $0x0  }
0x24: {  	s3 =	sadd.s32 $0x88, s3;
	s6 =	simm.s32 @!p1 $0x1082;
	[sflag:s4] =	ssyncset.s32 $0xFFFFF086  }
0x25: {  	[simem:s6], [sflag:s4] =	dma.local [hbm:s3], $0xF7A  }
0x26: {  	[smem:$0x3F9B] =	sst s1;
	(tag) =	ssettag s2;
	_ =	strace s9  }
0x27: {  	s1 =	sld [smem:$0x3FAB]  }
0x28: {  	s2 =	sld [smem:$0x3FAC]  }
0x29: {  	s4 =	sld [smem:$0x3FAE]  }
0x2a: {  	p0 =	seq.s32 s5, $0x0;
	s5 =	sld [smem:$0x3FAF]  }
0x2b: {  	s6 =	sld [smem:$0x3FB0]  }
0x2c: {  	s7 =	sld [smem:$0x3FB1]  }
0x2d: {  	s3 =	simm.s32 $0x108;
	s8 =	sld [smem:$0x3FB2]  }
0x2e: {  	s3 =	simm.s32 @!p0 $0x1082;
	s9 =	sld [smem:$0x3FB3]  }
0x2f: {  	lr =	sadd.s32 s0, s3;
	s0 =	sld [smem:$0x3FAA]  }
0x30: {  	s3 =	sld [smem:$0x3FAD]  }
0x31: {  	[smem:$0x3FB6] =	sst s10  }
0x32: {  	s10 =	sld [smem:$0x3FB4];
	_ =	sdelay $0x3  }
0x33: {  	p0 =	seq.s32 s10, $0x1;
	s10 =	sld [smem:$0x3FB6];
	_ =	sdelay $0x3  }
0x34: {  	[smem:$0x3FB6] =	sst s10  }
0x35: {  	s10 =	sld [smem:$0x3FB5];
	_ =	sdelay $0x3  }
0x36: {  	p1 =	seq.s32 s10, $0x1;
	s10 =	sld [smem:$0x3FB6];
	_ =	sdelay $0x3  }
0x37: {  	[smem:$0x3FB6] =	sst s10  }
0x38: {  	s10 =	sld [smem:$0x3FB7]  }
0x39: {  	_ = 	snop;
	(pc) =	sbr.ind lr, $3  }
0x3a: {  	_ = 	snop  }
0x3b: {  	_ = 	snop  }
0x3c: {  	p2 =	seq.s32 s10, $0x1;
	s10 =	sld [smem:$0x3FB6]  }
0x3d: {  	_ =	shalt  }
0x3e: {  	_ =	shalt  }
0x3f: {  	_ =	shalt  }
0x40: {  	_ =	shalt  }
0x41: {  	_ =	shalt  }
0x42: {  	_ =	shalt  }
0x43: {  	_ =	shalt  }
0x44: {  	_ =	shalt  }
0x45: {  	_ =	shalt  }
0x46: {  	_ =	shalt  }
0x47: {  	_ =	shalt  }
0x48: {  	_ =	shalt  }
0x49: {  	_ =	shalt  }
0x4a: {  	_ =	shalt  }
0x4b: {  	_ =	shalt  }
0x4c: {  	_ =	shalt  }
0x4d: {  	_ =	shalt  }
0x4e: {  	_ =	shalt  }
0x4f: {  	_ =	shalt  }
0x50: {  	_ =	shalt  }
0x51: {  	_ =	shalt  }
0x52: {  	_ =	shalt  }
0x53: {  	_ =	shalt  }
0x54: {  	_ =	shalt  }
0x55: {  	_ =	shalt  }
0x56: {  	_ =	shalt  }
0x57: {  	_ =	shalt  }
0x58: {  	_ =	shalt  }
0x59: {  	_ =	shalt  }
0x5a: {  	_ =	shalt  }
0x5b: {  	_ =	shalt  }
0x5c: {  	_ =	shalt  }
0x5d: {  	_ =	shalt  }
0x5e: {  	_ =	shalt  }
0x5f: {  	_ =	shalt  }
0x60: {  	_ =	shalt  }
0x61: {  	_ =	shalt  }
0x62: {  	_ =	shalt  }
0x63: {  	_ =	shalt  }
0x64: {  	_ =	shalt  }
0x65: {  	_ =	shalt  }
0x66: {  	_ =	shalt  }
0x67: {  	_ =	shalt  }
0x68: {  	_ =	shalt  }
0x69: {  	_ =	shalt  }
0x6a: {  	_ =	shalt  }
0x6b: {  	_ =	shalt  }
0x6c: {  	_ =	shalt  }
0x6d: {  	_ =	shalt  }
0x6e: {  	_ =	shalt  }
0x6f: {  	_ =	shalt  }
0x70: {  	_ =	shalt  }
0x71: {  	_ =	shalt  }
0x72: {  	_ =	shalt  }
0x73: {  	_ =	shalt  }
0x74: {  	_ =	shalt  }
0x75: {  	_ =	shalt  }
0x76: {  	_ =	shalt  }
0x77: {  	_ =	shalt  }
0x78: {  	_ =	shalt  }
0x79: {  	_ =	shalt  }
0x7a: {  	_ =	shalt  }
0x7b: {  	_ =	shalt  }
0x7c: {  	_ =	shalt  }
0x7d: {  	_ =	shalt  }
0x7e: {  	_ =	shalt  }
0x7f: {  	_ =	shalt  }
0x80: {  	_ =	shalt  }
0x81: {  	_ =	shalt  }
0x82: {  	_ =	shalt  }
0x83: {  	_ =	shalt  }
0x84: {  	_ =	shalt  }
0x85: {  	_ =	shalt  }
0x86: {  	_ =	shalt  }
0x87: {  	_ =	shalt  }
.Lfunc_end0:
.L_simem_size_0:
called_computation_lowered:
.L_overlay_start_0:
0x88: {  	s2 =	sld [smem:$0x3FD9]  }
0x89: {  	s3 =	sld [smem:$0x3FFE];
	_ =	sdelay $0x1  }
0x8a: {  	s1 =	srdreg.scid  }
0x8b: {  	s0 =	sand.u32 $0x1, s1  }
0x8c: {  	s17 =	sshll.u32 s0, $0xA;
	s2 =	sadd.s32 s3, s2  }
0x8d: {  	s2 =	sadd.s32 s2, s17  }
0x8e: {  	[smem:$0x3FC2] =	sst s2  }
0x8f: {  	_ = 	snop  }
0x90: {  	s2 =	sld [smem:$0x3FD0];
	(tm) =	ssettm $0x1  }
0x91: {  	s18 =	sld [smem:$0x3FFB];
	_ =	sdelay $0x3  }
0x92: {  	_ =	strace s18  }
0x93: {  	s3 =	sld [smem:$0x3FFC];
	_ =	sdelay $0x3  }
0x94: {  	_ =	strace s3  }
0x95: {  	s3 =	sld [smem:$0x3FFD];
	_ =	sdelay $0x3  }
0x96: {  	_ =	strace s3  }
0x97: {  	_ =	strace $0x8FFFFFFF  }
0x98: {  	s19 =	sld [smem:$0x3FDB];
	_ =	sdelay $0x1  }
0x99: {  	s4 =	simm.s32 $_scs_section_size  }
0x9a: {  	s5 =	simm.s32 $_size__tile_overlayer_lowered;
	s6 =	simm.s32 $_tile_overlayer_lowered  }
0x9b: {  	s22 =	simm.s32 $0x1BFF;
	s21 =	sshll.u32 s6, $0x1;
	s3 =	sadd.s32 s4, s19  }
0x9c: {  	s7 =	simm.s32 $0x0;
	s20 =	sshll.u32 s5, $0x1;
	s5 =	sadd.s32 s21, s3  }
0x9d: {  	[timem:s7], [sflag:s22] =	dma.local [hbm:s5], s20  }
0x9e: {  	_ =	swait.ge [sflag:s22], s20  }
0x9f: {  	s4 =	ssub.s32 $0x0, s20;
	[sflag:s22] =	ssyncset.done $0x0  }
0xa0: {  	[sflag:s22] =	ssyncadd.s32 s4;
	_ =	sdelay $0x1  }
0xa1: {  	s23 =	simm.s32 $0x1B8B  }
0xa2: {  	_ =	swait.ge [sflag:s23], $0x1  }
0xa3: {  	[sflag:s23] =	ssyncset.done $0x0  }
0xa4: {  	s25 =	simm.s32 $0x1B8E;
	s24 =	sld [smem:$0x3FFE];
	[sflag:s23] =	ssyncadd.s32 $0xFFFFFFFF  }
0xa5: {  	s26 =	simm.s32 $execute0_lowered;
	[smem:$0x3FD2] =	sst s25  }
0xa6: {  	s5 =	sshll.u32 s26, $0x1;
	_ =	strace $0x80000046;
	[dreg:$0x1] =	wrdreg $0xFFFFFFFF  }
0xa7: {  	s28 =	simm.s32 $_size_execute0_lowered;
	s3 =	sadd.s32 s3, s5;
	[dreg:$0x0] =	wrdreg $0x0  }
0xa8: {  	s5 =	sshll.u32 s28, $0x1;
	[dreg:$0x2] =	wrdreg s3  }
0xa9: {  	[dreg:$0x3] =	wrdreg s5  }
0xaa: {  	[dreg:$0x4] =	wrdreg $0xC0  }
0xab: {  	_ =	task [dreg:s7], $0x5FFFF  }
0xac: {  	[dreg:$0x1] =	wrdreg $0xFFFFFFFF  }
0xad: {  	[dreg:$0x0] =	wrdreg $0x60  }
0xae: {  	[dreg:$0x2] =	wrdreg s24  }
0xaf: {  	[dreg:$0x3] =	wrdreg s2  }
0xb0: {  	[dreg:$0x4] =	wrdreg $0x9  }
0xb1: {  	_ =	task.clear_ibuf [dreg:s7], $0x5FFFF;
	_ =	strace $0x90000046  }
0xb2: {  	s29 =	simm.s32 $0x9;
	_ =	strace $0x80000048  }
0xb3: {  	_ =	swait.ge [sflag:s29], $0x1  }
0xb4: {  	[sflag:s29] =	ssyncadd.s32 $0xFFFFFFFF  }
0xb5: {  	_ =	strace $0x90000048  }
0xb6: {  	_ =	sfence  }
0xb7: {  	s30 =	sld [smem:$0x0];
	_ =	sdelay $0x2  }
0xb8: {  	s31 =	sshll.u32 s1, $0xD;
	s1 =	sshrl.u32 s1, $0x2  }
0xb9: {  	s3 =	sand.u32 $0x4000, s31;
	s1 =	sadd.s32 s1, s30  }
0xba: {  	s0 =	sor.u32 s3, s0;
	s1 =	sshll.u32 s1, $0x11  }
0xbb: {  	s0 =	sor.u32 s1, s0  }
0xbc: {  	s0 =	sadd.s32 $0x8F2B, s0  }
0xbd: {  	[sflag:s0] =	ssyncadd.remote.s32 $0x1  }
0xbe: {  	_ =	sfence.sel $0xFFFF  }
0xbf: {  	[dreg:$0x0] =	wrdreg $0xFFFFFFFF;
	(pc) =	sbr.abs _section_cstart, $3  }
0xc0: {  	[dreg:$0x1] =	wrdreg $0xFFFFFFFF  }
0xc1: {  	_ =	task.clear_ibuf [dreg:s7], $0x2FFFF;
	_ =	strace $0x9FFFFFFF  }
0xc2: {  	(tm) =	ssettm $0x7FFFFFFF  }
0xc3: {  	_ =	shalt  }
tec
execute0_lowered:
.L_overlay_start_1:
0x0: {  	(tag) =	ssettag $0x1  }
0x1: {  	s1 =	stileid.u32  }
0x2: {  	p0 =	sgt.u32 s1, $0x3  }
.Ltmp0:
0x3: {  	_ = 	snop;
	(pc) =	sbr.rel @p0 .LBB2_4-.Ltmp0, $4  }
0x4: {  	s3 =	rddreg [dreg:$0x0]  }
0x5: {  	s6 =	rddreg [dreg:$0x1];
	s2 =	simm.s32 $0x0  }
0x6: {  	[smem:$0x7FF] =	sst s2  }
0x7: {  	s0 =	rddreg [dreg:$0x2];
	_ =	strace $0x80000047  }
0x8: {  	s4 =	sadd.s32 $0xE00, s3;
	s5 =	srdreg.scid;
	s3 =	simm.s32 $0x1  }
0x9: {  	[tilespmem:s2], [sflag:$0x1] =	stream.linear.gather [hbm4b:s4+s2], $0x400, $0x38;
	[tilespmem:$0x800] =	vst v63  }
0xa: {  	s31 =	sshll.u32 s1, $0x1;
	s8 =	sand.u32 $0x1, s5;
	_ =	swait.ge [sflag:s3], $0x400  }
0xb: {  	s7 =	sor.u32 s8, s31;
	[sflag:s3] =	ssyncset.done $0x0  }
0xc: {  	s5 =	sshll.u32 s7, $0x4;
	[sflag:s3] =	ssyncadd.s32 $0xFFFFFC00  }
0xd: {  	v7 =	vld [tilespmem:s5+$0x0]  }
0xe: {  	v9 =	vld [tilespmem:s5+$0x80]  }
0xf: {  	v10 =	vld [tilespmem:s5+$0x100]  }
0x10: {  	v11 =	vld [tilespmem:s5+$0x180]  }
0x11: {  	v12 =	vld [tilespmem:s5+$0x200]  }
0x12: {  	v13 =	vld [tilespmem:s5+$0x280]  }
0x13: {  	v14 =	vld [tilespmem:s5+$0x300];
	v0 =	vmax.f32 v7, v9  }
0x14: {  	v15 =	vld [tilespmem:s5+$0x380];
	v0 =	vmax.f32 v0, v10  }
0x15: {  	v0 =	vmax.f32 v0, v11  }
0x16: {  	v0 =	vmax.f32 v0, v12  }
0x17: {  	v0 =	vmax.f32 v0, v13  }
0x18: {  	v0 =	vmax.f32 v0, v14  }
0x19: {  	v16 =	vmax.f32 v0, v15  }
0x1a: {  	v0 =	vimm.f32 $0.0e+00;
	vm0 =	vge.f32 v7, v16  }
0x1b: {  	v2 =	vsel vm0, $0x3F800000, v0  }
0x1c: {  	vm0 =	vge.f32 v9, v16;
	v1 =	vsub.f32 $1.000000000e+00, v2  }
0x1d: {  	v3 =	vsel vm0, $0x3F800000, v0  }
0x1e: {  	v1 =	vmul.f32 v1, v3;
	_ =	sdelay $0x1  }
0x1f: {  	v4 =	vadd.f32 v1, v2;
	_ =	sdelay $0x1  }
0x20: {  	vm0 =	vge.f32 v10, v16;
	v3 =	vsub.f32 $1.000000000e+00, v4  }
0x21: {  	v5 =	vsel vm0, $0x3F800000, v0  }
0x22: {  	v3 =	vmul.f32 v3, v5;
	_ =	sdelay $0x1  }
0x23: {  	v5 =	vadd.f32 v3, v4;
	_ =	sdelay $0x1  }
0x24: {  	vm0 =	vge.f32 v11, v16;
	v4 =	vsub.f32 $1.000000000e+00, v5  }
0x25: {  	v6 =	vsel vm0, $0x3F800000, v0  }
0x26: {  	v4 =	vmul.f32 v4, v6;
	_ =	sdelay $0x1  }
0x27: {  	v5 =	vadd.f32 v4, v5;
	_ =	sdelay $0x1  }
0x28: {  	vm0 =	vge.f32 v12, v16;
	v6 =	vsub.f32 $1.000000000e+00, v5  }
0x29: {  	v8 =	vsel vm0, $0x3F800000, v0  }
0x2a: {  	v6 =	vmul.f32 v6, v8;
	_ =	sdelay $0x1  }
0x2b: {  	v8 =	vadd.f32 v6, v5;
	_ =	sdelay $0x1  }
0x2c: {  	vm0 =	vge.f32 v13, v16;
	v5 =	vsub.f32 $1.000000000e+00, v8  }
0x2d: {  	v17 =	vsel vm0, $0x3F800000, v0  }
0x2e: {  	v5 =	vmul.f32 v5, v17;
	_ =	sdelay $0x1  }
0x2f: {  	v18 =	vadd.f32 v5, v8  }
0x30: {  	v20 =	vsub.f32 v10, v16;
	v17 =	vsub.f32 v7, v16  }
0x31: {  	vm0 =	vge.f32 v14, v16;
	v8 =	vsub.f32 v9, v16;
	v19 =	vsub.f32 $1.000000000e+00, v18  }
0x32: {  	v21 =	vmul.f32 $1.000000020e+30, v1;
	v22 =	vsel vm0, $0x3F800000, v0;
	v17 =	vmul.f32 $1.442695020e+00, v17  }
0x33: {  	v24 =	vsub.f32 v11, v16;
	v23 =	vmul.f32 $1.442695020e+00, v8;
	v8 =	vmul.f32 v19, v22  }
0x34: {  	(erf) = vpow2.f32 v17;
	v17 =	vsub.f32 v9, v21;
	v9 =	vmul.f32 $1.000000020e+30, v3  }
0x35: {  	v55 =	vmul.f32 $1.000000020e+30, v2;
	v20 =	vmul.f32 $1.442695020e+00, v20;
	v18 =	vadd.f32 v8, v18  }
0x36: {  	vm0 =	vge.f32 v15, v16;
	v56 =	vsub.f32 v10, v9;
	v9 =	vmul.f32 $1.000000020e+30, v4  }
0x37: {  	v58 =	vmul.f32 $1.000000020e+30, v5;
	v10 =	vsub.f32 v7, v55;
	v7 =	vsub.f32 $1.000000000e+00, v18  }
0x38: {  	v57 =	vsub.f32 v11, v9;
	v9 =	vmul.f32 $1.000000020e+30, v6;
	v11 =	vsel vm0, $0x3F800000, v0  }
0x39: {  	(erf) = vpow2.f32 v23;
	v7 =	vmul.f32 v7, v11;
	v11 =	vmax.f32 v10, v17  }
0x3a: {  	v59 =	vsub.f32 v12, v9;
	v9 =	vmul.f32 $1.000000020e+30, v8;
	v11 =	vmax.f32 v11, v56  }
0x3b: {  	v19 =	vsub.f32 v13, v58;
	v60 =	vmul.f32 $1.000000020e+30, v7;
	v11 =	vmax.f32 v11, v57  }
0x3c: {  	v12 =	vsub.f32 v12, v16;
	v61 =	vsub.f32 v14, v9;
	v9 =	vmax.f32 v11, v59  }
0x3d: {  	v11 =	vmul.f32 $1.442695020e+00, v24;
	v23 =	vsub.f32 v15, v60;
	v9 =	vmax.f32 v9, v19  }
0x3e: {  	(erf) = vpow2.f32 v20;
	v12 =	vmul.f32 $1.442695020e+00, v12;
	v9 =	vmax.f32 v9, v61  }
0x3f: {  	(erf) = vpow2.f32 v11;
	v11 =	vsub.f32 v13, v16;
	v62 =	vmax.f32 v9, v23  }
0x40: {  	vm0 =	vge.f32 v10, v62  }
0x41: {  	v13 =	vsub.f32 v14, v16;
	v10 =	vmul.f32 $1.442695020e+00, v11;
	v9 =	vsel vm0, $0x3F800000, v0  }
0x42: {  	(erf) = vpow2.f32 v12;
	vm0 =	vge.f32 v17, v62;
	v14 =	vsub.f32 $1.000000000e+00, v9  }
0x43: {  	v12 =	vpop (erf);
	(erf) = vpow2.f32 v10;
	v10 =	vsel vm0, $0x3F800000, v0  }
0x44: {  	v13 =	vmul.f32 $1.442695020e+00, v13;
	v10 =	vmul.f32 v14, v10  }
0x45: {  	v12 =	vadd.f32 $0.0e+00, v12  }
0x46: {  	v11 =	vsub.f32 v15, v16;
	v14 =	vpop (erf);
	v15 =	vadd.f32 v10, v9  }
0x47: {  	v12 =	vadd.f32 v12, v14;
	v14 =	vsub.f32 v62, v16  }
0x48: {  	v11 =	vmul.f32 $1.442695020e+00, v11;
	(erf) = vpow2.f32 v13;
	v13 =	vpop (erf)  }
0x49: {  	v12 =	vadd.f32 v12, v13;
	v13 =	vsub.f32 $1.000000000e+00, v15  }
0x4a: {  	vm0 =	vge.f32 v56, v62;
	(erf) = vpow2.f32 v11;
	v11 =	vmul.f32 $1.442695020e+00, v14  }
0x4b: {  	v16 =	vsel vm0, $0x3F800000, v0;
	v14 =	vpop (erf)  }
0x4c: {  	(erf) = vpow2.f32 v11;
	v11 =	vmul.f32 v13, v16;
	v12 =	vadd.f32 v12, v14  }
0x4d: {  	v13 =	vpop (erf)  }
0x4e: {  	v12 =	vadd.f32 v12, v13;
	v13 =	vadd.f32 v11, v15  }
0x4f: {  	v14 =	vpop (erf)  }
0x50: {  	v12 =	vadd.f32 v12, v14;
	v14 =	vsub.f32 $1.000000000e+00, v13;
	_ =	sdelay $0x1  }
0x51: {  	vm0 =	vge.f32 v57, v62;
	v15 =	vpop (erf)  }
0x52: {  	v16 =	vsel vm0, $0x3F800000, v0;
	v15 =	vadd.f32 v12, v15  }
0x53: {  	v12 =	vmul.f32 v14, v16;
	v14 =	vpop (erf)  }
0x54: {  	v14 =	vadd.f32 v15, v14  }
0x55: {  	v15 =	vadd.f32 v12, v13;
	v13 =	vpop (erf)  }
0x56: {  	v16 =	vadd.f32 $1.000000000e+00, v13;
	v14 =	vmul.f32 $1.000000010e-10, v14  }
0x57: {  	s8 =	ssub.s32 $0x2, s8  }
0x58: {  	s9 =	sshrl.u32 s8, $0x1;
	v16 =	vadd.f32 v16, v14  }
0x59: {  	s8 =	ssub.s32 s8, s9  }
0x5a: {  	s8 =	smax.u32 s8, $0x1;
	(erf) = vrcp.f32 v16  }
0x5b: {  	p0 =	sne.s32 s8, $0x1  }
.Ltmp1:
0x5c: {  	vm0 =	vge.f32 v59, v62;
	v17 =	vsub.f32 $1.000000000e+00, v15;
	(pc) =	sbr.rel @!p0 .LBB2_3-.Ltmp1, $4  }
0x5d: {  	v63 =	vsel vm0, $0x3F800000, v0  }
0x5e: {  	v14 =	vmul.f32 v17, v63  }
0x5f: {  	s7 =	sshll.u32 s7, $0x7;
	vm2 =	vge.f32 v19, v62  }
0x60: {  	s6 =	sadd.s32 s6, s7;
	s7 =	simm.s32 $0x400;
	s8 =	sadd.s32 $0xFFFFFFFF, s8;
	vm1 =	vge.f32 v61, v62;
	vm0 =	vge.f32 v23, v62;
	v15 =	vadd.f32 v14, v15  }
.LBB2_2:
0x61: {  	_ = 	snop  }
0x62: {  	p0 =	sne.s32 s8, $0x1;
	s8 =	sadd.s32 $0xFFFFFFFF, s8;
	v16 =	vsub.f32 $1.000000000e+00, v15  }
0x63: {  	v17 =	vsel vm2, $0x3F800000, v0;
	v18 =	vpop (erf)  }
0x64: {  	v16 =	vmul.f32 v16, v17;
	v8 =	vmul.f32 v18, v8  }
0x65: {  	v2 =	vmul.f32 v18, v2;
	v4 =	vmul.f32 v18, v4  }
0x66: {  	v1 =	vmul.f32 v18, v1;
	v6 =	vmul.f32 v18, v6;
	v15 =	vadd.f32 v16, v15  }
0x67: {  	v3 =	vmul.f32 v18, v3;
	v5 =	vmul.f32 v18, v5  }
0x68: {  	v7 =	vmul.f32 v18, v7;
	v17 =	vsub.f32 $1.000000000e+00, v15  }
0x69: {  	v19 =	vsel vm1, $0x3F800000, v0  }
0x6a: {  	v13 =	vmul.f32 v18, v13;
	v17 =	vmul.f32 v17, v19;
	_ =	sdelay $0x1  }
0x6b: {  	v14 =	vmul.f32 v14, v13;
	v15 =	vadd.f32 v17, v15;
	v17 =	vmul.f32 v17, v13  }
0x6c: {  	v18 =	vsel vm0, $0x3F800000, v0;
	v9 =	vmul.f32 v13, v9;
	v12 =	vmul.f32 v12, v13  }
0x6d: {  	v10 =	vmul.f32 v13, v10;
	v15 =	vsub.f32 $1.000000000e+00, v15;
	v8 =	vadd.f32 v17, v8  }
0x6e: {  	v2 =	vadd.f32 v9, v2;
	v9 =	vmul.f32 v13, v11;
	v11 =	vmul.f32 v16, v13  }
0x6f: {  	v4 =	vadd.f32 v12, v4;
	v6 =	vadd.f32 v14, v6;
	v15 =	vmul.f32 v15, v18;
	[tilespmem:$0x700] =	vst v8  }
0x70: {  	v1 =	vadd.f32 v10, v1;
	[tilespmem:$0x400] =	vst v2;
	v2 =	vadd.f32 v9, v3  }
0x71: {  	v3 =	vadd.f32 v11, v5;
	[tilespmem:$0x580] =	vst v4;
	v4 =	vmul.f32 v15, v13  }
0x72: {  	[tilespmem:$0x500] =	vst v2  }
0x73: {  	[tilespmem:$0x600] =	vst v6;
	v2 =	vadd.f32 v4, v7  }
0x74: {  	[tilespmem:$0x480] =	vst v1  }
0x75: {  	[tilespmem:$0x780] =	vst v2  }
0x76: {  	[tilespmem:$0x680] =	vst v3  }
0x77: {  	[hbm4b:s6+s2] =	stream.linear.scatter [tilespmem:s7], [sflag:$0x1], $0x400, $0x38;
	[tilespmem:$0x800] =	vst v63  }
0x78: {  	_ =	swait.ge [sflag:s3], $0x400  }
0x79: {  	[sflag:s3] =	ssyncset.done $0x0  }
0x7a: {  	[sflag:s3] =	ssyncadd.s32 $0xFFFFFC00  }
0x7b: {  	[tilespmem:s2], [sflag:$0x1] =	stream.linear.gather [hbm4b:s4+s2], $0x400, $0x38;
	[tilespmem:$0x800] =	vst v63  }
0x7c: {  	_ =	swait.ge [sflag:s3], $0x400  }
0x7d: {  	[sflag:s3] =	ssyncset.done $0x0  }
0x7e: {  	[sflag:s3] =	ssyncadd.s32 $0xFFFFFC00  }
0x7f: {  	v4 =	vld [tilespmem:s5+$0x100]  }
0x80: {  	v7 =	vld [tilespmem:s5+$0x0]  }
0x81: {  	v3 =	vld [tilespmem:s5+$0x80]  }
0x82: {  	v8 =	vld [tilespmem:s5+$0x280]  }
0x83: {  	v5 =	vld [tilespmem:s5+$0x180]  }
0x84: {  	v12 =	vld [tilespmem:s5+$0x200]  }
0x85: {  	v11 =	vld [tilespmem:s5+$0x300]  }
0x86: {  	v1 =	vmax.f32 v7, v3  }
0x87: {  	v9 =	vld [tilespmem:s5+$0x380];
	v1 =	vmax.f32 v1, v4  }
0x88: {  	v1 =	vmax.f32 v1, v5  }
0x89: {  	v1 =	vmax.f32 v1, v12  }
0x8a: {  	v1 =	vmax.f32 v1, v8  }
0x8b: {  	v1 =	vmax.f32 v1, v11  }
0x8c: {  	v10 =	vmax.f32 v1, v9  }
0x8d: {  	vm0 =	vge.f32 v7, v10;
	vm1 =	vge.f32 v3, v10;
	v1 =	vsub.f32 v12, v10  }
0x8e: {  	vm4 =	vge.f32 v5, v10;
	vm3 =	vge.f32 v12, v10;
	v2 =	vsel vm0, $0x3F800000, v0  }
0x8f: {  	v13 =	vsub.f32 v7, v10;
	vm0 =	vge.f32 v8, v10;
	v6 =	vsub.f32 $1.000000000e+00, v2  }
0x90: {  	v15 =	vsub.f32 v3, v10;
	v14 =	vsel vm1, $0x3F800000, v0;
	v16 =	vmul.f32 $1.442695020e+00, v1  }
0x91: {  	v1 =	vmul.f32 v6, v14;
	v6 =	vmul.f32 $1.442695020e+00, v13;
	v13 =	vsub.f32 v4, v10  }
0x92: {  	vm2 =	vge.f32 v4, v10;
	v14 =	vmul.f32 $1.442695020e+00, v15;
	v15 =	vsub.f32 v5, v10  }
0x93: {  	v17 =	vadd.f32 v1, v2;
	v18 =	vmul.f32 $1.000000020e+30, v1;
	(erf) = vpow2.f32 v6  }
0x94: {  	v19 =	vsub.f32 v11, v10;
	vm1 =	vge.f32 v11, v10;
	v6 =	vsub.f32 v8, v10  }
0x95: {  	v20 =	vsub.f32 $1.000000000e+00, v17;
	v18 =	vsub.f32 v3, v18;
	(erf) = vpow2.f32 v14  }
0x96: {  	v13 =	vmul.f32 $1.442695020e+00, v13;
	v3 =	vsel vm2, $0x3F800000, v0;
	v6 =	vmul.f32 $1.442695020e+00, v6  }
0x97: {  	v14 =	vmul.f32 $1.442695020e+00, v19;
	v19 =	vsub.f32 v9, v10;
	v3 =	vmul.f32 v20, v3  }
0x98: {  	v15 =	vmul.f32 $1.442695020e+00, v15;
	vm2 =	vge.f32 v9, v10;
	(erf) = vpow2.f32 v13  }
0x99: {  	v19 =	vmul.f32 $1.442695020e+00, v19;
	v13 =	vadd.f32 v3, v17;
	v17 =	vmul.f32 $1.000000020e+30, v3  }
0x9a: {  	v20 =	vmul.f32 $1.000000020e+30, v2;
	(erf) = vpow2.f32 v15  }
0x9b: {  	v15 =	vsub.f32 $1.000000000e+00, v13;
	v17 =	vsub.f32 v4, v17  }
0x9c: {  	v4 =	vsel vm4, $0x3F800000, v0;
	v21 =	vpop (erf);
	(erf) = vpow2.f32 v16  }
0x9d: {  	v4 =	vmul.f32 v15, v4;
	v15 =	vadd.f32 $0.0e+00, v21  }
0x9e: {  	v16 =	vpop (erf);
	(erf) = vpow2.f32 v6  }
0x9f: {  	v13 =	vadd.f32 v4, v13;
	v6 =	vmul.f32 $1.000000020e+30, v4;
	v15 =	vadd.f32 v15, v16  }
0xa0: {  	(erf) = vpow2.f32 v14  }
0xa1: {  	v21 =	vsub.f32 $1.000000000e+00, v13;
	v16 =	vsub.f32 v5, v6;
	v5 =	vpop (erf)  }
0xa2: {  	v6 =	vsel vm3, $0x3F800000, v0;
	v5 =	vadd.f32 v15, v5;
	(erf) = vpow2.f32 v19  }
0xa3: {  	v6 =	vmul.f32 v21, v6;
	v14 =	vpop (erf)  }
0xa4: {  	v5 =	vadd.f32 v5, v14  }
0xa5: {  	v13 =	vadd.f32 v6, v13;
	v19 =	vmul.f32 $1.000000020e+30, v6;
	v15 =	vpop (erf)  }
0xa6: {  	v5 =	vadd.f32 v5, v15  }
0xa7: {  	v21 =	vsub.f32 $1.000000000e+00, v13;
	v12 =	vsub.f32 v12, v19;
	v14 =	vpop (erf)  }
0xa8: {  	v19 =	vsel vm0, $0x3F800000, v0;
	v14 =	vadd.f32 v5, v14  }
0xa9: {  	v5 =	vmul.f32 v21, v19;
	v15 =	vpop (erf)  }
0xaa: {  	v14 =	vadd.f32 v14, v15  }
0xab: {  	v13 =	vadd.f32 v5, v13;
	v15 =	vmul.f32 $1.000000020e+30, v5;
	v19 =	vpop (erf)  }
0xac: {  	v14 =	vadd.f32 v14, v19  }
0xad: {  	v19 =	vsub.f32 $1.000000000e+00, v13;
	v15 =	vsub.f32 v8, v15  }
0xae: {  	v8 =	vsel vm1, $0x3F800000, v0  }
0xaf: {  	v8 =	vmul.f32 v19, v8;
	_ =	sdelay $0x1  }
0xb0: {  	v13 =	vadd.f32 v8, v13;
	v19 =	vmul.f32 $1.000000020e+30, v8  }
0xb1: {  	v20 =	vsub.f32 v7, v20  }
0xb2: {  	v7 =	vsub.f32 $1.000000000e+00, v13;
	v11 =	vsub.f32 v11, v19  }
0xb3: {  	v13 =	vsel vm2, $0x3F800000, v0  }
0xb4: {  	v7 =	vmul.f32 v7, v13;
	v13 =	vmax.f32 v20, v18  }
0xb5: {  	v13 =	vmax.f32 v13, v17  }
0xb6: {  	v19 =	vmul.f32 $1.000000020e+30, v7;
	v13 =	vmax.f32 v13, v16  }
0xb7: {  	v13 =	vmax.f32 v13, v12  }
0xb8: {  	v19 =	vsub.f32 v9, v19;
	v9 =	vmax.f32 v13, v15  }
0xb9: {  	v9 =	vmax.f32 v9, v11  }
0xba: {  	v13 =	vmax.f32 v9, v19  }
0xbb: {  	vm0 =	vge.f32 v20, v13;
	vm1 =	vge.f32 v18, v13;
	v10 =	vsub.f32 v13, v10  }
0xbc: {  	vm5 =	vge.f32 v17, v13;
	vm4 =	vge.f32 v16, v13;
	v9 =	vsel vm0, $0x3F800000, v0  }
0xbd: {  	vm3 =	vge.f32 v12, v13;
	v16 =	vsub.f32 $1.000000000e+00, v9;
	v12 =	vmul.f32 $1.442695020e+00, v10  }
0xbe: {  	vm2 =	vge.f32 v15, v13;
	v10 =	vsel vm1, $0x3F800000, v0;
	vm1 =	vge.f32 v11, v13  }
0xbf: {  	vm0 =	vge.f32 v19, v13;
	v10 =	vmul.f32 v16, v10;
	(erf) = vpow2.f32 v12;
	_ =	sdelay $0x1  }
0xc0: {  	v12 =	vadd.f32 v10, v9;
	_ =	sdelay $0x1  }
0xc1: {  	v11 =	vsub.f32 $1.000000000e+00, v12  }
0xc2: {  	v13 =	vsel vm5, $0x3F800000, v0  }
0xc3: {  	v11 =	vmul.f32 v11, v13;
	_ =	sdelay $0x1  }
0xc4: {  	v15 =	vadd.f32 v11, v12  }
0xc5: {  	v13 =	vpop (erf)  }
0xc6: {  	v14 =	vmul.f32 $1.000000010e-10, v14;
	v12 =	vsub.f32 $1.000000000e+00, v15;
	v16 =	vadd.f32 $1.000000000e+00, v13  }
0xc7: {  	v17 =	vsel vm4, $0x3F800000, v0  }
0xc8: {  	v12 =	vmul.f32 v12, v17;
	v14 =	vadd.f32 v16, v14;
	_ =	sdelay $0x1  }
0xc9: {  	v15 =	vadd.f32 v12, v15;
	(erf) = vrcp.f32 v14;
	_ =	sdelay $0x1  }
.Ltmp2:
0xca: {  	v14 =	vsub.f32 $1.000000000e+00, v15;
	(pc) =	sbr.rel @p0 .LBB2_2-.Ltmp2, $3  }
0xcb: {  	v16 =	vsel vm3, $0x3F800000, v0  }
0xcc: {  	v14 =	vmul.f32 v14, v16;
	_ =	sdelay $0x1  }
0xcd: {  	v15 =	vadd.f32 v14, v15  }
.LBB2_3:
0xce: {  	_ = 	snop  }
0xcf: {  	v16 =	vsub.f32 $1.000000000e+00, v15  }
0xd0: {  	v17 =	vsel vm2, $0x3F800000, v0  }
0xd1: {  	v16 =	vmul.f32 v16, v17;
	_ =	sdelay $0x1  }
0xd2: {  	v53 =	vadd.f32 v16, v15;
	_ =	sdelay $0x1  }
0xd3: {  	v54 =	vpop (erf);
	v18 =	vsub.f32 $1.000000000e+00, v53  }
0xd4: {  	v19 =	vsel vm1, $0x3F800000, v0;
	v13 =	vmul.f32 v54, v13;
	v2 =	vmul.f32 v54, v2  }
0xd5: {  	v4 =	vmul.f32 v54, v4;
	v18 =	vmul.f32 v18, v19  }
0xd6: {  	v55 =	vsel vm0, $0x3F800000, v0;
	v6 =	vmul.f32 v54, v6;
	v9 =	vmul.f32 v13, v9  }
0xd7: {  	v3 =	vmul.f32 v54, v3;
	v12 =	vmul.f32 v12, v13;
	v15 =	vadd.f32 v18, v53  }
0xd8: {  	v1 =	vmul.f32 v54, v1;
	v56 =	vmul.f32 v13, v11;
	v2 =	vadd.f32 v9, v2  }
0xd9: {  	v57 =	vmul.f32 v14, v13;
	v4 =	vadd.f32 v12, v4;
	v15 =	vsub.f32 $1.000000000e+00, v15  }
0xda: {  	v61 =	vmul.f32 v54, v5;
	v58 =	vmul.f32 v13, v10;
	v59 =	vadd.f32 v56, v3;
	[tilespmem:$0x400] =	vst v2  }
0xdb: {  	v62 =	vmul.f32 v16, v13;
	v6 =	vadd.f32 v57, v6;
	[tilespmem:$0x580] =	vst v4;
	v0 =	vmul.f32 v15, v55  }
0xdc: {  	v8 =	vmul.f32 v54, v8;
	v1 =	vadd.f32 v58, v1;
	[tilespmem:$0x500] =	vst v59;
	v18 =	vmul.f32 v18, v13  }
0xdd: {  	v60 =	vmul.f32 v54, v7;
	v63 =	vadd.f32 v62, v61;
	[tilespmem:$0x600] =	vst v6;
	v0 =	vmul.f32 v0, v13  }
0xde: {  	[tilespmem:$0x480] =	vst v1;
	v8 =	vadd.f32 v18, v8  }
0xdf: {  	[tilespmem:$0x680] =	vst v63;
	v0 =	vadd.f32 v0, v60  }
0xe0: {  	[tilespmem:$0x700] =	vst v8  }
0xe1: {  	[tilespmem:$0x780] =	vst v0  }
0xe2: {  	[hbm4b:s6+s2] =	stream.linear.scatter [tilespmem:s7], [sflag:$0x1], $0x400, $0x38;
	[tilespmem:$0x800] =	vst v63  }
0xe3: {  	_ =	swait.ge [sflag:s3], $0x400  }
0xe4: {  	[sflag:s3] =	ssyncset.done $0x0  }
0xe5: {  	[sflag:s3] =	ssyncadd.s32 $0xFFFFFC00  }
.LBB2_4:
0xe6: {  	_ =	sfence.sel $0x180000  }
0xe7: {  	[bflag:$0x0] =	sbarrier.arrive $0xFFFF  }
0xe8: {  	p0 =	sne.s32 s1, $0x0;
	_ =	strace $0x90000047  }
0xe9: {  	s0 =	sadd.s32 @!p0 $0x100000, s0;
	[bflag:$0x2] =	sbarrier.arrive $0xFFFF  }
0xea: {  	[sflag:s0] =	ssyncadd.tile.s32 @!p0 $0x1;
	_ =	shalt  }
.Lfunc_end2:
_tile_overlayer_lowered:
.L_overlay_start_2:
0xeb: {  	(tag) =	ssettag $0x2  }
0xec: {  	s0 =	rddreg [dreg:$0x0];
	s2 =	stileid.u32  }
0xed: {  	s1 =	rddreg [dreg:$0x1];
	p0 =	sne.s32 s2, $0x0  }
0xee: {  	s3 =	rddreg [dreg:$0x2];
	[bflag:$0x3] =	sbarrier.arrive $0xFFFF;
	s2 =	simm.s32 @!p0 $0x1C01  }
0xef: {  	[timem:s3], [sflag:s2] =	dma.local @!p0 [hbm:s0], s1  }
0xf0: {  	s0 =	simm.s32 @!p0 $0x1  }
0xf1: {  	_ =	swait.ge @!p0 [sflag:s0], s1  }
0xf2: {  	s1 =	ssub.s32 @!p0 $0x0, s1;
	[sflag:s0] =	ssyncset.done @!p0 $0x0  }
0xf3: {  	[sflag:s0] =	ssyncadd.s32 @!p0 s1  }
0xf4: {  	[bflag:$0x3] =	sbarrier.arrive $0xFFFF  }
0xf5: {  	_ =	shalt  }

</sc_bundles>
